<compile_context>
chip_gen: v7x
topology: tpu7x:2x2x1
jax: 0.10.2.dev20260603
libtpu: 0.0.44.dev20260713+nightly
codegen_flags: <defaults>
</compile_context>

<pallas_src>
import functools

import jax
import jax.numpy as jnp
from jax import lax
from jax.experimental import pallas as pl
from jax.experimental.pallas import tpu as pltpu
from jax.experimental.pallas import tpu_sc as plsc

EMB = 16
N_EDGES = 1600000
CHUNK = 1024
ROWS = CHUNK // 128
TAIL = 512
NUM_MAIN = (N_EDGES - TAIL) // CHUNK
NW = 32
L = 16
NBUF = 2


def _sc_lookup(ci2d, ci_tail, WcT):
    mesh = plsc.VectorSubcoreMesh(core_axis_name="c", subcore_axis_name="s")

    @functools.partial(
        pl.kernel,
        mesh=mesh,
        compiler_params=pltpu.CompilerParams(
            use_tc_tiling_on_sc=True, needs_layout_passes=False),
        out_type=jax.ShapeDtypeStruct((2 * EMB, N_EDGES), jnp.float32),
        scratch_types=[
            [pltpu.VMEM((ROWS, 128), jnp.int32) for _ in range(NBUF)],
            [pltpu.VMEM((2 * EMB, CHUNK), jnp.float32) for _ in range(NBUF)],
            pltpu.VMEM((TAIL,), jnp.int32),
            pltpu.VMEM((2 * EMB, EMB), jnp.float32),
            [pltpu.SemaphoreType.DMA for _ in range(NBUF)],
            [pltpu.SemaphoreType.DMA for _ in range(NBUF)],
        ],
    )
    def k(ci_hbm, tail_hbm, wct_hbm, out_hbm,
          ci_v, out_v, tail_v, wct_v, isem, wsem):
        wid = lax.axis_index("s") * 2 + lax.axis_index("c")
        steps = (NUM_MAIN + NW - 1) // NW
        tw = (NUM_MAIN - wid + NW - 1) // NW

        pltpu.sync_copy(wct_hbm, wct_v)
        wcols = [wct_v[f, :] for f in range(2 * EMB)]

        def start_idx(t, b):
            r0 = (wid + t * NW) * ROWS
            pltpu.async_copy(ci_hbm.at[pl.ds(r0, ROWS), :], ci_v[b], isem[b])

        def wait_idx(b):
            pltpu.make_async_copy(
                ci_hbm.at[pl.ds(0, ROWS), :], ci_v[b], isem[b]).wait()

        def wait_write(b):
            pltpu.make_async_copy(
                out_v[b], out_hbm.at[:, pl.ds(0, CHUNK)], wsem[b]).wait()

        def transpose_groups(idx_ref, dst_ref, n_groups):
            def group(o, carry):
                ov = o * L
                civ = idx_ref[pl.ds(ov, L)]
                for f in range(2 * EMB):
                    dst_ref[f, pl.ds(ov, L)] = (
                        wcols[f].at[civ].get(mode="promise_in_bounds"))
                return carry

            lax.fori_loop(0, n_groups, group, 0)

        def run_chunk(t, b):
            wait_idx(b)

            def group(o, carry):
                r = o // (128 // L)
                ov = (o % (128 // L)) * L
                civ = ci_v[b][r, pl.ds(ov, L)]
                for f in range(2 * EMB):
                    out_v[b][f, pl.ds(o * L, L)] = (
                        wcols[f].at[civ].get(mode="promise_in_bounds"))
                return carry

            lax.fori_loop(0, CHUNK // L, group, 0)
            base = (wid + t * NW) * CHUNK
            pltpu.async_copy(out_v[b], out_hbm.at[:, pl.ds(base, CHUNK)], wsem[b])

        start_idx(0, 0)

        def body(t, carry):
            for bb in range(NBUF):
                @pl.when(lax.rem(t, NBUF) == bb)
                def _(bb=bb):
                    @pl.when(t + 1 < tw)
                    def _():
                        start_idx(t + 1, (bb + 1) % NBUF)

                    @pl.when(t < tw)
                    def _():
                        @pl.when(t >= NBUF)
                        def _():
                            wait_write(bb)
                        run_chunk(t, bb)
            return carry

        lax.fori_loop(0, steps, body, 0)

        for kk in range(NBUF):
            tp = tw - 1 - kk
            for bb in range(NBUF):
                @pl.when(jnp.logical_and(tp >= 0, lax.rem(tp, NBUF) == bb))
                def _(bb=bb):
                    wait_write(bb)

        @pl.when(wid == NW - 1)
        def _():
            pltpu.sync_copy(tail_hbm, tail_v)

            def group(o, carry):
                ov = o * L
                civ = tail_v[pl.ds(ov, L)]
                for f in range(2 * EMB):
                    out_v[0][f, pl.ds(ov, L)] = (
                        wcols[f].at[civ].get(mode="promise_in_bounds"))
                return carry

            lax.fori_loop(0, TAIL // L, group, 0)
            pltpu.sync_copy(
                out_v[0].at[:, pl.ds(0, TAIL)],
                out_hbm.at[:, pl.ds(NUM_MAIN * CHUNK, TAIL)])

    return k(ci2d, ci_tail, WcT)


def kernel(edge_attr, W0, W1):
    Wc = jnp.concatenate(
        [jnp.repeat(W0, 4, axis=0), jnp.tile(W1, (4, 1))], axis=1)
    ea_t = edge_attr.reshape(N_EDGES // 128, 128, 2).transpose(0, 2, 1)
    ci2d = ea_t[:, 0, :] * 4 + ea_t[:, 1, :]
    tail0 = NUM_MAIN * CHUNK
    ci_tail = edge_attr[tail0:, 0] * 4 + edge_attr[tail0:, 1]
    res_t = _sc_lookup(ci2d, ci_tail, Wc.T)
    return res_t.T

# --- scband reference (transcript-rebuilt; emitter-appended) ---
"""Pipeline reference for scband-edge-encoder-58171037057276 (READ-ONLY COPY).

The authoritative reference and input builder live on the scoring server;
editing this copy changes nothing except your own understanding.
"""

import jax, jax.numpy as jnp
import numpy as np

EMB_DIM = 16
FEATURE_DIMS = [4, 4]
N_EDGES = 1600000

def _xavier_uniform(key, shape):
    fan_in, fan_out = shape[0], shape[1]
    a = float(np.sqrt(6.0 / (fan_in + fan_out)))
    return jax.random.uniform(key, shape, dtype=jnp.float32, minval=-a, maxval=a)

def setup_inputs(seed: int = 0) -> dict:
    key = jax.random.key(seed)
    k_attr, k_w0, k_w1 = jax.random.split(key, 3)
    edge_attr = jax.random.randint(k_attr, (N_EDGES, 2), 0, FEATURE_DIMS[0], dtype=jnp.int64 if jax.config.jax_enable_x64 else jnp.int32).astype(jnp.int32)
    W0 = _xavier_uniform(k_w0, (FEATURE_DIMS[0], EMB_DIM))
    W1 = _xavier_uniform(k_w1, (FEATURE_DIMS[1], EMB_DIM))
    return {"edge_attr": edge_attr, "W0": W0, "W1": W1}

def reference(edge_attr, W0, W1):
    # Faithful translation of EdgeEncoder.forward:
    # per-column embedding lookup, then concatenate along feature dim.
    e0 = jnp.take(W0, edge_attr[:, 0], axis=0)
    e1 = jnp.take(W1, edge_attr[:, 1], axis=0)
    edge_embedding = jnp.concatenate([e0, e1], axis=1)
    return edge_embedding

if __name__ == "__main__":
    import jax
    _d = setup_inputs()
    print(jax.jit(kernel)(*tuple(_d.values())))

</pallas_src>

<mosaic_0001>
#map = affine_map<(d0, d1) -> (0, 0)>
#map1 = affine_map<(d0, d1) -> (0)>
module attributes {stable_mosaic.version = 14 : i64} {
  func.func @k(%arg0: i32, %arg1: i32, %arg2: memref<12500x128xi32, #tpu.memory_space<hbm>>, %arg3: memref<512xi32, #tpu.memory_space<hbm>>, %arg4: memref<32x16xf32, #tpu.memory_space<hbm>>, %arg5: memref<32x1600000xf32, #tpu.memory_space<hbm>>, %arg6: memref<8x128xi32, #tpu.memory_space<vmem>>, %arg7: memref<8x128xi32, #tpu.memory_space<vmem>>, %arg8: memref<32x1024xf32, #tpu.memory_space<vmem>>, %arg9: memref<32x1024xf32, #tpu.memory_space<vmem>>, %arg10: memref<512xi32, #tpu.memory_space<vmem>>, %arg11: memref<32x16xf32, #tpu.memory_space<vmem>>, %arg12: memref<!tpu.dma_semaphore, #tpu.memory_space<semaphore_mem>>, %arg13: memref<!tpu.dma_semaphore, #tpu.memory_space<semaphore_mem>>, %arg14: memref<!tpu.dma_semaphore, #tpu.memory_space<semaphore_mem>>, %arg15: memref<!tpu.dma_semaphore, #tpu.memory_space<semaphore_mem>>) attributes {dimension_semantics = [#tpu.dimension_semantics<core_parallel>, #tpu.dimension_semantics<subcore_parallel>], iteration_bounds = array<i64: 2, 16>, scalar_prefetch = 0 : i64, scratch_operands = 10 : i64, tpu.core_type = #tpu.core_type<sc_vector_subcore>, window_params = [{transform_indices = #map}, {transform_indices = #map1}, {transform_indices = #map}, {transform_indices = #map}]} {
    %mul3A = arith.constant 2 : i32
    %mul3A_0 = arith.muli %arg1, %mul3A : i32
    %add3A = arith.addi %mul3A_0, %arg0 : i32
    %sub3A = arith.constant 1562 : i32
    %sub3A_1 = arith.subi %sub3A, %add3A : i32
    %add3A_2 = arith.constant 32 : i32
    %add3A_3 = arith.addi %sub3A_1, %add3A_2 : i32
    %sub3A_4 = arith.constant 1 : i32
    %sub3A_5 = arith.subi %add3A_3, %sub3A_4 : i32
    %jit3A = arith.constant 32 : i32
    %div3A = arith.divsi %sub3A_5, %jit3A : i32
    %sign3A = arith.constant 0 : i32
    %sign3A_6 = arith.cmpi sgt, %sub3A_5, %sign3A : i32
    %sign3A_7 = arith.extui %sign3A_6 : i1 to i32
    %sign3A_8 = arith.constant 0 : i32
    %sign3A_9 = arith.cmpi slt, %sub3A_5, %sign3A_8 : i32
    %sign3A_10 = arith.extui %sign3A_9 : i1 to i32
    %sign3A_11 = arith.subi %sign3A_7, %sign3A_10 : i32
    %sign3A_12 = arith.constant 0 : i32
    %sign3A_13 = arith.cmpi sgt, %jit3A, %sign3A_12 : i32
    %sign3A_14 = arith.extui %sign3A_13 : i1 to i32
    %sign3A_15 = arith.constant 0 : i32
    %sign3A_16 = arith.cmpi slt, %jit3A, %sign3A_15 : i32
    %sign3A_17 = arith.extui %sign3A_16 : i1 to i32
    %sign3A_18 = arith.subi %sign3A_14, %sign3A_17 : i32
    %ne3A = arith.cmpi ne, %sign3A_11, %sign3A_18 : i32
    %rem3A = arith.remsi %sub3A_5, %jit3A : i32
    %ne3A_19 = arith.constant 0 : i32
    %ne3A_20 = arith.cmpi ne, %rem3A, %ne3A_19 : i32
    %and3A = arith.andi %ne3A, %ne3A_20 : i1
    %sub3A_21 = arith.constant 1 : i32
    %sub3A_22 = arith.subi %div3A, %sub3A_21 : i32
    %select_n3A = arith.select %and3A, %sub3A_22, %div3A : i32
    "tpu.region"() ({
      %run_scoped3A = tpu.sem_alloc : memref<!tpu.dma_semaphore, #tpu.memory_space<semaphore_mem>>
      tpu.enqueue_dma source(%arg4 : memref<32x16xf32, #tpu.memory_space<hbm>>) target(%arg11 : memref<32x16xf32, #tpu.memory_space<vmem>>) target_semaphore(%run_scoped3A : memref<!tpu.dma_semaphore, #tpu.memory_space<semaphore_mem>>)
      tpu.wait_dma2 semaphore(%run_scoped3A : memref<!tpu.dma_semaphore, #tpu.memory_space<semaphore_mem>>) src(%arg4 : memref<32x16xf32, #tpu.memory_space<hbm>>) dst(%arg11 : memref<32x16xf32, #tpu.memory_space<vmem>>)
      tpu.yield
    }) : () -> ()
    %get3A = arith.constant 0 : i32
    %get3A_23 = arith.index_cast %get3A : i32 to index
    %get3A_24 = arith.constant 0 : index
    %get3A_25 = tpu.vector_load %arg11[%get3A_23, %get3A_24] {strides = array<i32>} : memref<32x16xf32, #tpu.memory_space<vmem>>, vector<16xf32>,
    %get3A_26 = arith.constant 1 : i32
    %get3A_27 = arith.index_cast %get3A_26 : i32 to index
    %get3A_28 = arith.constant 0 : index
    %get3A_29 = tpu.vector_load %arg11[%get3A_27, %get3A_28] {strides = array<i32>} : memref<32x16xf32, #tpu.memory_space<vmem>>, vector<16xf32>,
    %get3A_30 = arith.constant 2 : i32
    %get3A_31 = arith.index_cast %get3A_30 : i32 to index
    %get3A_32 = arith.constant 0 : index
    %get3A_33 = tpu.vector_load %arg11[%get3A_31, %get3A_32] {strides = array<i32>} : memref<32x16xf32, #tpu.memory_space<vmem>>, vector<16xf32>,
    %get3A_34 = arith.constant 3 : i32
    %get3A_35 = arith.index_cast %get3A_34 : i32 to index
    %get3A_36 = arith.constant 0 : index
    %get3A_37 = tpu.vector_load %arg11[%get3A_35, %get3A_36] {strides = array<i32>} : memref<32x16xf32, #tpu.memory_space<vmem>>, vector<16xf32>,
    %get3A_38 = arith.constant 4 : i32
    %get3A_39 = arith.index_cast %get3A_38 : i32 to index
    %get3A_40 = arith.constant 0 : index
    %get3A_41 = tpu.vector_load %arg11[%get3A_39, %get3A_40] {strides = array<i32>} : memref<32x16xf32, #tpu.memory_space<vmem>>, vector<16xf32>,
    %get3A_42 = arith.constant 5 : i32
    %get3A_43 = arith.index_cast %get3A_42 : i32 to index
    %get3A_44 = arith.constant 0 : index
    %get3A_45 = tpu.vector_load %arg11[%get3A_43, %get3A_44] {strides = array<i32>} : memref<32x16xf32, #tpu.memory_space<vmem>>, vector<16xf32>,
    %get3A_46 = arith.constant 6 : i32
    %get3A_47 = arith.index_cast %get3A_46 : i32 to index
    %get3A_48 = arith.constant 0 : index
    %get3A_49 = tpu.vector_load %arg11[%get3A_47, %get3A_48] {strides = array<i32>} : memref<32x16xf32, #tpu.memory_space<vmem>>, vector<16xf32>,
    %get3A_50 = arith.constant 7 : i32
    %get3A_51 = arith.index_cast %get3A_50 : i32 to index
    %get3A_52 = arith.constant 0 : index
    %get3A_53 = tpu.vector_load %arg11[%get3A_51, %get3A_52] {strides = array<i32>} : memref<32x16xf32, #tpu.memory_space<vmem>>, vector<16xf32>,
    %get3A_54 = arith.constant 8 : i32
    %get3A_55 = arith.index_cast %get3A_54 : i32 to index
    %get3A_56 = arith.constant 0 : index
    %get3A_57 = tpu.vector_load %arg11[%get3A_55, %get3A_56] {strides = array<i32>} : memref<32x16xf32, #tpu.memory_space<vmem>>, vector<16xf32>,
    %get3A_58 = arith.constant 9 : i32
    %get3A_59 = arith.index_cast %get3A_58 : i32 to index
    %get3A_60 = arith.constant 0 : index
    %get3A_61 = tpu.vector_load %arg11[%get3A_59, %get3A_60] {strides = array<i32>} : memref<32x16xf32, #tpu.memory_space<vmem>>, vector<16xf32>,
    %get3A_62 = arith.constant 10 : i32
    %get3A_63 = arith.index_cast %get3A_62 : i32 to index
    %get3A_64 = arith.constant 0 : index
    %get3A_65 = tpu.vector_load %arg11[%get3A_63, %get3A_64] {strides = array<i32>} : memref<32x16xf32, #tpu.memory_space<vmem>>, vector<16xf32>,
    %get3A_66 = arith.constant 11 : i32
    %get3A_67 = arith.index_cast %get3A_66 : i32 to index
    %get3A_68 = arith.constant 0 : index
    %get3A_69 = tpu.vector_load %arg11[%get3A_67, %get3A_68] {strides = array<i32>} : memref<32x16xf32, #tpu.memory_space<vmem>>, vector<16xf32>,
    %get3A_70 = arith.constant 12 : i32
    %get3A_71 = arith.index_cast %get3A_70 : i32 to index
    %get3A_72 = arith.constant 0 : index
    %get3A_73 = tpu.vector_load %arg11[%get3A_71, %get3A_72] {strides = array<i32>} : memref<32x16xf32, #tpu.memory_space<vmem>>, vector<16xf32>,
    %get3A_74 = arith.constant 13 : i32
    %get3A_75 = arith.index_cast %get3A_74 : i32 to index
    %get3A_76 = arith.constant 0 : index
    %get3A_77 = tpu.vector_load %arg11[%get3A_75, %get3A_76] {strides = array<i32>} : memref<32x16xf32, #tpu.memory_space<vmem>>, vector<16xf32>,
    %get3A_78 = arith.constant 14 : i32
    %get3A_79 = arith.index_cast %get3A_78 : i32 to index
    %get3A_80 = arith.constant 0 : index
    %get3A_81 = tpu.vector_load %arg11[%get3A_79, %get3A_80] {strides = array<i32>} : memref<32x16xf32, #tpu.memory_space<vmem>>, vector<16xf32>,
    %get3A_82 = arith.constant 15 : i32
    %get3A_83 = arith.index_cast %get3A_82 : i32 to index
    %get3A_84 = arith.constant 0 : index
    %get3A_85 = tpu.vector_load %arg11[%get3A_83, %get3A_84] {strides = array<i32>} : memref<32x16xf32, #tpu.memory_space<vmem>>, vector<16xf32>,
    %get3A_86 = arith.constant 16 : i32
    %get3A_87 = arith.index_cast %get3A_86 : i32 to index
    %get3A_88 = arith.constant 0 : index
    %get3A_89 = tpu.vector_load %arg11[%get3A_87, %get3A_88] {strides = array<i32>} : memref<32x16xf32, #tpu.memory_space<vmem>>, vector<16xf32>,
    %get3A_90 = arith.constant 17 : i32
    %get3A_91 = arith.index_cast %get3A_90 : i32 to index
    %get3A_92 = arith.constant 0 : index
    %get3A_93 = tpu.vector_load %arg11[%get3A_91, %get3A_92] {strides = array<i32>} : memref<32x16xf32, #tpu.memory_space<vmem>>, vector<16xf32>,
    %get3A_94 = arith.constant 18 : i32
    %get3A_95 = arith.index_cast %get3A_94 : i32 to index
    %get3A_96 = arith.constant 0 : index
    %get3A_97 = tpu.vector_load %arg11[%get3A_95, %get3A_96] {strides = array<i32>} : memref<32x16xf32, #tpu.memory_space<vmem>>, vector<16xf32>,
    %get3A_98 = arith.constant 19 : i32
    %get3A_99 = arith.index_cast %get3A_98 : i32 to index
    %get3A_100 = arith.constant 0 : index
    %get3A_101 = tpu.vector_load %arg11[%get3A_99, %get3A_100] {strides = array<i32>} : memref<32x16xf32, #tpu.memory_space<vmem>>, vector<16xf32>,
    %get3A_102 = arith.constant 20 : i32
    %get3A_103 = arith.index_cast %get3A_102 : i32 to index
    %get3A_104 = arith.constant 0 : index
    %get3A_105 = tpu.vector_load %arg11[%get3A_103, %get3A_104] {strides = array<i32>} : memref<32x16xf32, #tpu.memory_space<vmem>>, vector<16xf32>,
    %get3A_106 = arith.constant 21 : i32
    %get3A_107 = arith.index_cast %get3A_106 : i32 to index
    %get3A_108 = arith.constant 0 : index
    %get3A_109 = tpu.vector_load %arg11[%get3A_107, %get3A_108] {strides = array<i32>} : memref<32x16xf32, #tpu.memory_space<vmem>>, vector<16xf32>,
    %get3A_110 = arith.constant 22 : i32
    %get3A_111 = arith.index_cast %get3A_110 : i32 to index
    %get3A_112 = arith.constant 0 : index
    %get3A_113 = tpu.vector_load %arg11[%get3A_111, %get3A_112] {strides = array<i32>} : memref<32x16xf32, #tpu.memory_space<vmem>>, vector<16xf32>,
    %get3A_114 = arith.constant 23 : i32
    %get3A_115 = arith.index_cast %get3A_114 : i32 to index
    %get3A_116 = arith.constant 0 : index
    %get3A_117 = tpu.vector_load %arg11[%get3A_115, %get3A_116] {strides = array<i32>} : memref<32x16xf32, #tpu.memory_space<vmem>>, vector<16xf32>,
    %get3A_118 = arith.constant 24 : i32
    %get3A_119 = arith.index_cast %get3A_118 : i32 to index
    %get3A_120 = arith.constant 0 : index
    %get3A_121 = tpu.vector_load %arg11[%get3A_119, %get3A_120] {strides = array<i32>} : memref<32x16xf32, #tpu.memory_space<vmem>>, vector<16xf32>,
    %get3A_122 = arith.constant 25 : i32
    %get3A_123 = arith.index_cast %get3A_122 : i32 to index
    %get3A_124 = arith.constant 0 : index
    %get3A_125 = tpu.vector_load %arg11[%get3A_123, %get3A_124] {strides = array<i32>} : memref<32x16xf32, #tpu.memory_space<vmem>>, vector<16xf32>,
    %get3A_126 = arith.constant 26 : i32
    %get3A_127 = arith.index_cast %get3A_126 : i32 to index
    %get3A_128 = arith.constant 0 : index
    %get3A_129 = tpu.vector_load %arg11[%get3A_127, %get3A_128] {strides = array<i32>} : memref<32x16xf32, #tpu.memory_space<vmem>>, vector<16xf32>,
    %get3A_130 = arith.constant 27 : i32
    %get3A_131 = arith.index_cast %get3A_130 : i32 to index
    %get3A_132 = arith.constant 0 : index
    %get3A_133 = tpu.vector_load %arg11[%get3A_131, %get3A_132] {strides = array<i32>} : memref<32x16xf32, #tpu.memory_space<vmem>>, vector<16xf32>,
    %get3A_134 = arith.constant 28 : i32
    %get3A_135 = arith.index_cast %get3A_134 : i32 to index
    %get3A_136 = arith.constant 0 : index
    %get3A_137 = tpu.vector_load %arg11[%get3A_135, %get3A_136] {strides = array<i32>} : memref<32x16xf32, #tpu.memory_space<vmem>>, vector<16xf32>,
    %get3A_138 = arith.constant 29 : i32
    %get3A_139 = arith.index_cast %get3A_138 : i32 to index
    %get3A_140 = arith.constant 0 : index
    %get3A_141 = tpu.vector_load %arg11[%get3A_139, %get3A_140] {strides = array<i32>} : memref<32x16xf32, #tpu.memory_space<vmem>>, vector<16xf32>,
    %get3A_142 = arith.constant 30 : i32
    %get3A_143 = arith.index_cast %get3A_142 : i32 to index
    %get3A_144 = arith.constant 0 : index
    %get3A_145 = tpu.vector_load %arg11[%get3A_143, %get3A_144] {strides = array<i32>} : memref<32x16xf32, #tpu.memory_space<vmem>>, vector<16xf32>,
    %get3A_146 = arith.constant 31 : i32
    %get3A_147 = arith.index_cast %get3A_146 : i32 to index
    %get3A_148 = arith.constant 0 : index
    %get3A_149 = tpu.vector_load %arg11[%get3A_147, %get3A_148] {strides = array<i32>} : memref<32x16xf32, #tpu.memory_space<vmem>>, vector<16xf32>,
    %add3A_150 = arith.constant 0 : i32
    %add3A_151 = arith.addi %add3A, %add3A_150 : i32
    %mul3A_152 = arith.constant 8 : i32
    %mul3A_153 = arith.muli %add3A_151, %mul3A_152 : i32
    %dma_start3A = arith.constant 0 : i32
    %dma_start3A_154 = tpu.memref_slice %arg2[%mul3A_153, %dma_start3A] : memref<12500x128xi32, #tpu.memory_space<hbm>> -> memref<8x128xi32, #tpu.memory_space<hbm>>
    %dma_start3A_155 = arith.constant 0 : i32
    %dma_start3A_156 = tpu.memref_slice %arg2[%mul3A_153, %dma_start3A_155] : memref<12500x128xi32, #tpu.memory_space<hbm>> -> memref<8x128xi32, #tpu.memory_space<hbm>>
    tpu.enqueue_dma source(%dma_start3A_156 : memref<8x128xi32, #tpu.memory_space<hbm>>) target(%arg6 : memref<8x128xi32, #tpu.memory_space<vmem>>) target_semaphore(%arg12 : memref<!tpu.dma_semaphore, #tpu.memory_space<semaphore_mem>>)
    %scan3A = arith.constant 0 : i32
    %scan3A_157 = arith.constant 0 : i32
    %scan3A_158 = arith.constant 49 : i32
    %scan3A_159 = arith.addi %scan3A_157, %scan3A_158 : i32
    %scan3A_160 = arith.constant 1 : i32
    scf.for %scan3A_211 = %scan3A_157 to %scan3A_159 step %scan3A_160  : i32 {
      %rem3A_212 = arith.constant 2 : i32
      %rem3A_213 = arith.remsi %scan3A_211, %rem3A_212 : i32
      %eq3A_214 = arith.constant 0 : i32
      %eq3A_215 = arith.cmpi eq, %rem3A_213, %eq3A_214 : i32
      %convert_element_type3A_216 = arith.extui %eq3A_215 : i1 to i32
      %cond3A_217 = arith.constant 0 : i32
      %cond3A_218 = arith.cmpi ne, %convert_element_type3A_216, %cond3A_217 : i32
      scf.if %cond3A_218 {
        %add3A_226 = arith.constant 1 : i32
        %add3A_227 = arith.addi %scan3A_211, %add3A_226 : i32
        %lt3A = arith.cmpi slt, %add3A_227, %select_n3A : i32
        %convert_element_type3A_228 = arith.extui %lt3A : i1 to i32
        %cond3A_229 = arith.constant 0 : i32
        %cond3A_230 = arith.cmpi ne, %convert_element_type3A_228, %cond3A_229 : i32
        scf.if %cond3A_230 {
          %add3A_235 = arith.constant 1 : i32
          %add3A_236 = arith.addi %scan3A_211, %add3A_235 : i32
          %mul3A_237 = arith.constant 32 : i32
          %mul3A_238 = arith.muli %add3A_236, %mul3A_237 : i32
          %add3A_239 = arith.addi %add3A, %mul3A_238 : i32
          %mul3A_240 = arith.constant 8 : i32
          %mul3A_241 = arith.muli %add3A_239, %mul3A_240 : i32
          %dma_start3A_242 = arith.constant 0 : i32
          %dma_start3A_243 = tpu.memref_slice %arg2[%mul3A_241, %dma_start3A_242] : memref<12500x128xi32, #tpu.memory_space<hbm>> -> memref<8x128xi32, #tpu.memory_space<hbm>>
          %dma_start3A_244 = arith.constant 0 : i32
          %dma_start3A_245 = tpu.memref_slice %arg2[%mul3A_241, %dma_start3A_244] : memref<12500x128xi32, #tpu.memory_space<hbm>> -> memref<8x128xi32, #tpu.memory_space<hbm>>
          tpu.enqueue_dma source(%dma_start3A_245 : memref<8x128xi32, #tpu.memory_space<hbm>>) target(%arg7 : memref<8x128xi32, #tpu.memory_space<vmem>>) target_semaphore(%arg13 : memref<!tpu.dma_semaphore, #tpu.memory_space<semaphore_mem>>)
        } else {
        }
        %lt3A_231 = arith.cmpi slt, %scan3A_211, %select_n3A : i32
        %convert_element_type3A_232 = arith.extui %lt3A_231 : i1 to i32
        %cond3A_233 = arith.constant 0 : i32
        %cond3A_234 = arith.cmpi ne, %convert_element_type3A_232, %cond3A_233 : i32
        scf.if %cond3A_234 {
          %ge3A_235 = arith.constant 2 : i32
          %ge3A_236 = arith.cmpi sge, %scan3A_211, %ge3A_235 : i32
          %convert_element_type3A_237 = arith.extui %ge3A_236 : i1 to i32
          %cond3A_238 = arith.constant 0 : i32
          %cond3A_239 = arith.cmpi ne, %convert_element_type3A_237, %cond3A_238 : i32
          scf.if %cond3A_239 {
            %dma_wait3A_260 = arith.constant 0 : i32
            %dma_wait3A_261 = arith.constant 0 : i32
            %dma_wait3A_262 = tpu.memref_slice %arg5[%dma_wait3A_260, %dma_wait3A_261] : memref<32x1600000xf32, #tpu.memory_space<hbm>> -> memref<32x1024xf32, #tpu.memory_space<hbm>>
            %dma_wait3A_263 = arith.constant 0 : i32
            %dma_wait3A_264 = arith.constant 0 : i32
            %dma_wait3A_265 = tpu.memref_slice %arg5[%dma_wait3A_263, %dma_wait3A_264] : memref<32x1600000xf32, #tpu.memory_space<hbm>> -> memref<32x1024xf32, #tpu.memory_space<hbm>>
            tpu.wait_dma2 semaphore(%arg14 : memref<!tpu.dma_semaphore, #tpu.memory_space<semaphore_mem>>) src(%arg8 : memref<32x1024xf32, #tpu.memory_space<vmem>>) dst(%dma_wait3A_265 : memref<32x1024xf32, #tpu.memory_space<hbm>>)
          } else {
          }
          %dma_wait3A = arith.constant 0 : i32
          %dma_wait3A_240 = arith.constant 0 : i32
          %dma_wait3A_241 = tpu.memref_slice %arg2[%dma_wait3A, %dma_wait3A_240] : memref<12500x128xi32, #tpu.memory_space<hbm>> -> memref<8x128xi32, #tpu.memory_space<hbm>>
          %dma_wait3A_242 = arith.constant 0 : i32
          %dma_wait3A_243 = arith.constant 0 : i32
          %dma_wait3A_244 = tpu.memref_slice %arg2[%dma_wait3A_242, %dma_wait3A_243] : memref<12500x128xi32, #tpu.memory_space<hbm>> -> memref<8x128xi32, #tpu.memory_space<hbm>>
          tpu.wait_dma2 semaphore(%arg12 : memref<!tpu.dma_semaphore, #tpu.memory_space<semaphore_mem>>) src(%dma_wait3A_244 : memref<8x128xi32, #tpu.memory_space<hbm>>) dst(%arg6 : memref<8x128xi32, #tpu.memory_space<vmem>>)
          %scan3A_245 = arith.constant 0 : i32
          %scan3A_246 = arith.constant 0 : i32
          %scan3A_247 = arith.constant 64 : i32
          %scan3A_248 = arith.addi %scan3A_246, %scan3A_247 : i32
          %scan3A_249 = arith.constant 1 : i32
          scf.for %scan3A_260 = %scan3A_246 to %scan3A_248 step %scan3A_249  : i32 {
            %jit3A_261 = arith.constant 8 : i32
            %div3A_262 = arith.divsi %scan3A_260, %jit3A_261 : i32
            %sign3A_263 = arith.constant 0 : i32
            %sign3A_264 = arith.cmpi sgt, %scan3A_260, %sign3A_263 : i32
            %sign3A_265 = arith.extui %sign3A_264 : i1 to i32
            %sign3A_266 = arith.constant 0 : i32
            %sign3A_267 = arith.cmpi slt, %scan3A_260, %sign3A_266 : i32
            %sign3A_268 = arith.extui %sign3A_267 : i1 to i32
            %sign3A_269 = arith.subi %sign3A_265, %sign3A_268 : i32
            %sign3A_270 = arith.constant 0 : i32
            %sign3A_271 = arith.cmpi sgt, %jit3A_261, %sign3A_270 : i32
            %sign3A_272 = arith.extui %sign3A_271 : i1 to i32
            %sign3A_273 = arith.constant 0 : i32
            %sign3A_274 = arith.cmpi slt, %jit3A_261, %sign3A_273 : i32
            %sign3A_275 = arith.extui %sign3A_274 : i1 to i32
            %sign3A_276 = arith.subi %sign3A_272, %sign3A_275 : i32
            %ne3A_277 = arith.cmpi ne, %sign3A_269, %sign3A_276 : i32
            %rem3A_278 = arith.remsi %scan3A_260, %jit3A_261 : i32
            %ne3A_279 = arith.constant 0 : i32
            %ne3A_280 = arith.cmpi ne, %rem3A_278, %ne3A_279 : i32
            %and3A_281 = arith.andi %ne3A_277, %ne3A_280 : i1
            %sub3A_282 = arith.constant 1 : i32
            %sub3A_283 = arith.subi %div3A_262, %sub3A_282 : i32
            %select_n3A_284 = arith.select %and3A_281, %sub3A_283, %div3A_262 : i32
            %jit3A_285 = arith.constant 8 : i32
            %eq3A_286 = arith.constant 0 : i32
            %eq3A_287 = arith.cmpi eq, %jit3A_285, %eq3A_286 : i32
            %jit3A_288 = arith.constant 1 : i32
            %select_n3A_289 = arith.select %eq3A_287, %jit3A_288, %jit3A_285 : i32
            %rem3A_290 = arith.remsi %scan3A_260, %select_n3A_289 : i32
            %ne3A_291 = arith.constant 0 : i32
            %ne3A_292 = arith.cmpi ne, %rem3A_290, %ne3A_291 : i32
            %lt3A_293 = arith.constant 0 : i32
            %lt3A_294 = arith.cmpi slt, %rem3A_290, %lt3A_293 : i32
            %lt3A_295 = arith.constant 0 : i32
            %lt3A_296 = arith.cmpi slt, %select_n3A_289, %lt3A_295 : i32
            %ne3A_297 = arith.xori %lt3A_294, %lt3A_296 : i1
            %and3A_298 = arith.andi %ne3A_297, %ne3A_292 : i1
            %add3A_299 = arith.addi %rem3A_290, %select_n3A_289 : i32
            %select_n3A_300 = arith.select %and3A_298, %add3A_299, %rem3A_290 : i32
            %mul3A_301 = arith.constant 16 : i32
            %mul3A_302 = arith.muli %select_n3A_300, %mul3A_301 : i32
            %get3A_303 = arith.index_cast %select_n3A_284 : i32 to index
            %get3A_304 = arith.index_cast %mul3A_302 : i32 to index
            %get3A_305 = tpu.vector_load %arg6[%get3A_303, %get3A_304] {strides = array<i32>} : memref<8x128xi32, #tpu.memory_space<vmem>>, vector<16xi32>,
            %lt3A_306 = arith.constant 0 : i32
            %lt3A_307 = vector.broadcast %lt3A_306 : i32 to vector<16xi32>
            %lt3A_308 = arith.cmpi slt, %get3A_305, %lt3A_307 : vector<16xi32>
            %add3A_309 = arith.constant 16 : i32
            %add3A_310 = vector.broadcast %add3A_309 : i32 to vector<16xi32>
            %add3A_311 = arith.addi %get3A_305, %add3A_310 : vector<16xi32>
            %select_n3A_312 = arith.select %lt3A_308, %add3A_311, %get3A_305 : vector<16xi1>, vector<16xi32>
            %broadcast_in_dim3A = vector.shape_cast %select_n3A_312 : vector<16xi32> to vector<16x1xi32>
            %gather3A = vector.shape_cast %broadcast_in_dim3A : vector<16x1xi32> to vector<16xi32>
            %gather3A_313 = tpu.dynamic_gather %get3A_25[%gather3A] in [0] : vector<16xf32>, vector<16xi32> -> vector<16xf32>
            %mul3A_314 = arith.constant 16 : i32
            %mul3A_315 = arith.muli %scan3A_260, %mul3A_314 : i32
            %swap3A = arith.constant 0 : i32
            %swap3A_316 = arith.index_cast %swap3A : i32 to index
            %swap3A_317 = arith.index_cast %mul3A_315 : i32 to index
            %swap3A_318 = tpu.vector_load %arg8[%swap3A_316, %swap3A_317] {strides = array<i32>} : memref<32x1024xf32, #tpu.memory_space<vmem>>, vector<16xf32>,
            tpu.vector_store %arg8[%swap3A_316, %swap3A_317], %gather3A_313 {strides = array<i32>} : memref<32x1024xf32, #tpu.memory_space<vmem>>, vector<16xf32>,
            %lt3A_319 = arith.constant 0 : i32
            %lt3A_320 = vector.broadcast %lt3A_319 : i32 to vector<16xi32>
            %lt3A_321 = arith.cmpi slt, %get3A_305, %lt3A_320 : vector<16xi32>
            %add3A_322 = arith.constant 16 : i32
            %add3A_323 = vector.broadcast %add3A_322 : i32 to vector<16xi32>
            %add3A_324 = arith.addi %get3A_305, %add3A_323 : vector<16xi32>
            %select_n3A_325 = arith.select %lt3A_321, %add3A_324, %get3A_305 : vector<16xi1>, vector<16xi32>
            %broadcast_in_dim3A_326 = vector.shape_cast %select_n3A_325 : vector<16xi32> to vector<16x1xi32>
            %gather3A_327 = vector.shape_cast %broadcast_in_dim3A_326 : vector<16x1xi32> to vector<16xi32>
            %gather3A_328 = tpu.dynamic_gather %get3A_29[%gather3A_327] in [0] : vector<16xf32>, vector<16xi32> -> vector<16xf32>
            %mul3A_329 = arith.constant 16 : i32
            %mul3A_330 = arith.muli %scan3A_260, %mul3A_329 : i32
            %swap3A_331 = arith.constant 1 : i32
            %swap3A_332 = arith.index_cast %swap3A_331 : i32 to index
            %swap3A_333 = arith.index_cast %mul3A_330 : i32 to index
            %swap3A_334 = tpu.vector_load %arg8[%swap3A_332, %swap3A_333] {strides = array<i32>} : memref<32x1024xf32, #tpu.memory_space<vmem>>, vector<16xf32>,
            tpu.vector_store %arg8[%swap3A_332, %swap3A_333], %gather3A_328 {strides = array<i32>} : memref<32x1024xf32, #tpu.memory_space<vmem>>, vector<16xf32>,
            %lt3A_335 = arith.constant 0 : i32
            %lt3A_336 = vector.broadcast %lt3A_335 : i32 to vector<16xi32>
            %lt3A_337 = arith.cmpi slt, %get3A_305, %lt3A_336 : vector<16xi32>
            %add3A_338 = arith.constant 16 : i32
            %add3A_339 = vector.broadcast %add3A_338 : i32 to vector<16xi32>
            %add3A_340 = arith.addi %get3A_305, %add3A_339 : vector<16xi32>
            %select_n3A_341 = arith.select %lt3A_337, %add3A_340, %get3A_305 : vector<16xi1>, vector<16xi32>
            %broadcast_in_dim3A_342 = vector.shape_cast %select_n3A_341 : vector<16xi32> to vector<16x1xi32>
            %gather3A_343 = vector.shape_cast %broadcast_in_dim3A_342 : vector<16x1xi32> to vector<16xi32>
            %gather3A_344 = tpu.dynamic_gather %get3A_33[%gather3A_343] in [0] : vector<16xf32>, vector<16xi32> -> vector<16xf32>
            %mul3A_345 = arith.constant 16 : i32
            %mul3A_346 = arith.muli %scan3A_260, %mul3A_345 : i32
            %swap3A_347 = arith.constant 2 : i32
            %swap3A_348 = arith.index_cast %swap3A_347 : i32 to index
            %swap3A_349 = arith.index_cast %mul3A_346 : i32 to index
            %swap3A_350 = tpu.vector_load %arg8[%swap3A_348, %swap3A_349] {strides = array<i32>} : memref<32x1024xf32, #tpu.memory_space<vmem>>, vector<16xf32>,
            tpu.vector_store %arg8[%swap3A_348, %swap3A_349], %gather3A_344 {strides = array<i32>} : memref<32x1024xf32, #tpu.memory_space<vmem>>, vector<16xf32>,
            %lt3A_351 = arith.constant 0 : i32
            %lt3A_352 = vector.broadcast %lt3A_351 : i32 to vector<16xi32>
            %lt3A_353 = arith.cmpi slt, %get3A_305, %lt3A_352 : vector<16xi32>
            %add3A_354 = arith.constant 16 : i32
            %add3A_355 = vector.broadcast %add3A_354 : i32 to vector<16xi32>
            %add3A_356 = arith.addi %get3A_305, %add3A_355 : vector<16xi32>
            %select_n3A_357 = arith.select %lt3A_353, %add3A_356, %get3A_305 : vector<16xi1>, vector<16xi32>
            %broadcast_in_dim3A_358 = vector.shape_cast %select_n3A_357 : vector<16xi32> to vector<16x1xi32>
            %gather3A_359 = vector.shape_cast %broadcast_in_dim3A_358 : vector<16x1xi32> to vector<16xi32>
            %gather3A_360 = tpu.dynamic_gather %get3A_37[%gather3A_359] in [0] : vector<16xf32>, vector<16xi32> -> vector<16xf32>
            %mul3A_361 = arith.constant 16 : i32
            %mul3A_362 = arith.muli %scan3A_260, %mul3A_361 : i32
            %swap3A_363 = arith.constant 3 : i32
            %swap3A_364 = arith.index_cast %swap3A_363 : i32 to index
            %swap3A_365 = arith.index_cast %mul3A_362 : i32 to index
            %swap3A_366 = tpu.vector_load %arg8[%swap3A_364, %swap3A_365] {strides = array<i32>} : memref<32x1024xf32, #tpu.memory_space<vmem>>, vector<16xf32>,
            tpu.vector_store %arg8[%swap3A_364, %swap3A_365], %gather3A_360 {strides = array<i32>} : memref<32x1024xf32, #tpu.memory_space<vmem>>, vector<16xf32>,
            %lt3A_367 = arith.constant 0 : i32
            %lt3A_368 = vector.broadcast %lt3A_367 : i32 to vector<16xi32>
            %lt3A_369 = arith.cmpi slt, %get3A_305, %lt3A_368 : vector<16xi32>
            %add3A_370 = arith.constant 16 : i32
            %add3A_371 = vector.broadcast %add3A_370 : i32 to vector<16xi32>
            %add3A_372 = arith.addi %get3A_305, %add3A_371 : vector<16xi32>
            %select_n3A_373 = arith.select %lt3A_369, %add3A_372, %get3A_305 : vector<16xi1>, vector<16xi32>
            %broadcast_in_dim3A_374 = vector.shape_cast %select_n3A_373 : vector<16xi32> to vector<16x1xi32>
            %gather3A_375 = vector.shape_cast %broadcast_in_dim3A_374 : vector<16x1xi32> to vector<16xi32>
            %gather3A_376 = tpu.dynamic_gather %get3A_41[%gather3A_375] in [0] : vector<16xf32>, vector<16xi32> -> vector<16xf32>
            %mul3A_377 = arith.constant 16 : i32
            %mul3A_378 = arith.muli %scan3A_260, %mul3A_377 : i32
            %swap3A_379 = arith.constant 4 : i32
            %swap3A_380 = arith.index_cast %swap3A_379 : i32 to index
            %swap3A_381 = arith.index_cast %mul3A_378 : i32 to index
            %swap3A_382 = tpu.vector_load %arg8[%swap3A_380, %swap3A_381] {strides = array<i32>} : memref<32x1024xf32, #tpu.memory_space<vmem>>, vector<16xf32>,
            tpu.vector_store %arg8[%swap3A_380, %swap3A_381], %gather3A_376 {strides = array<i32>} : memref<32x1024xf32, #tpu.memory_space<vmem>>, vector<16xf32>,
            %lt3A_383 = arith.constant 0 : i32
            %lt3A_384 = vector.broadcast %lt3A_383 : i32 to vector<16xi32>
            %lt3A_385 = arith.cmpi slt, %get3A_305, %lt3A_384 : vector<16xi32>
            %add3A_386 = arith.constant 16 : i32
            %add3A_387 = vector.broadcast %add3A_386 : i32 to vector<16xi32>
            %add3A_388 = arith.addi %get3A_305, %add3A_387 : vector<16xi32>
            %select_n3A_389 = arith.select %lt3A_385, %add3A_388, %get3A_305 : vector<16xi1>, vector<16xi32>
            %broadcast_in_dim3A_390 = vector.shape_cast %select_n3A_389 : vector<16xi32> to vector<16x1xi32>
            %gather3A_391 = vector.shape_cast %broadcast_in_dim3A_390 : vector<16x1xi32> to vector<16xi32>
            %gather3A_392 = tpu.dynamic_gather %get3A_45[%gather3A_391] in [0] : vector<16xf32>, vector<16xi32> -> vector<16xf32>
            %mul3A_393 = arith.constant 16 : i32
            %mul3A_394 = arith.muli %scan3A_260, %mul3A_393 : i32
            %swap3A_395 = arith.constant 5 : i32
            %swap3A_396 = arith.index_cast %swap3A_395 : i32 to index
            %swap3A_397 = arith.index_cast %mul3A_394 : i32 to index
            %swap3A_398 = tpu.vector_load %arg8[%swap3A_396, %swap3A_397] {strides = array<i32>} : memref<32x1024xf32, #tpu.memory_space<vmem>>, vector<16xf32>,
            tpu.vector_store %arg8[%swap3A_396, %swap3A_397], %gather3A_392 {strides = array<i32>} : memref<32x1024xf32, #tpu.memory_space<vmem>>, vector<16xf32>,
            %lt3A_399 = arith.constant 0 : i32
            %lt3A_400 = vector.broadcast %lt3A_399 : i32 to vector<16xi32>
            %lt3A_401 = arith.cmpi slt, %get3A_305, %lt3A_400 : vector<16xi32>
            %add3A_402 = arith.constant 16 : i32
            %add3A_403 = vector.broadcast %add3A_402 : i32 to vector<16xi32>
            %add3A_404 = arith.addi %get3A_305, %add3A_403 : vector<16xi32>
            %select_n3A_405 = arith.select %lt3A_401, %add3A_404, %get3A_305 : vector<16xi1>, vector<16xi32>
            %broadcast_in_dim3A_406 = vector.shape_cast %select_n3A_405 : vector<16xi32> to vector<16x1xi32>
            %gather3A_407 = vector.shape_cast %broadcast_in_dim3A_406 : vector<16x1xi32> to vector<16xi32>
            %gather3A_408 = tpu.dynamic_gather %get3A_49[%gather3A_407] in [0] : vector<16xf32>, vector<16xi32> -> vector<16xf32>
            %mul3A_409 = arith.constant 16 : i32
            %mul3A_410 = arith.muli %scan3A_260, %mul3A_409 : i32
            %swap3A_411 = arith.constant 6 : i32
            %swap3A_412 = arith.index_cast %swap3A_411 : i32 to index
            %swap3A_413 = arith.index_cast %mul3A_410 : i32 to index
            %swap3A_414 = tpu.vector_load %arg8[%swap3A_412, %swap3A_413] {strides = array<i32>} : memref<32x1024xf32, #tpu.memory_space<vmem>>, vector<16xf32>,
            tpu.vector_store %arg8[%swap3A_412, %swap3A_413], %gather3A_408 {strides = array<i32>} : memref<32x1024xf32, #tpu.memory_space<vmem>>, vector<16xf32>,
            %lt3A_415 = arith.constant 0 : i32
            %lt3A_416 = vector.broadcast %lt3A_415 : i32 to vector<16xi32>
            %lt3A_417 = arith.cmpi slt, %get3A_305, %lt3A_416 : vector<16xi32>
            %add3A_418 = arith.constant 16 : i32
            %add3A_419 = vector.broadcast %add3A_418 : i32 to vector<16xi32>
            %add3A_420 = arith.addi %get3A_305, %add3A_419 : vector<16xi32>
            %select_n3A_421 = arith.select %lt3A_417, %add3A_420, %get3A_305 : vector<16xi1>, vector<16xi32>
            %broadcast_in_dim3A_422 = vector.shape_cast %select_n3A_421 : vector<16xi32> to vector<16x1xi32>
            %gather3A_423 = vector.shape_cast %broadcast_in_dim3A_422 : vector<16x1xi32> to vector<16xi32>
            %gather3A_424 = tpu.dynamic_gather %get3A_53[%gather3A_423] in [0] : vector<16xf32>, vector<16xi32> -> vector<16xf32>
            %mul3A_425 = arith.constant 16 : i32
            %mul3A_426 = arith.muli %scan3A_260, %mul3A_425 : i32
            %swap3A_427 = arith.constant 7 : i32
            %swap3A_428 = arith.index_cast %swap3A_427 : i32 to index
            %swap3A_429 = arith.index_cast %mul3A_426 : i32 to index
            %swap3A_430 = tpu.vector_load %arg8[%swap3A_428, %swap3A_429] {strides = array<i32>} : memref<32x1024xf32, #tpu.memory_space<vmem>>, vector<16xf32>,
            tpu.vector_store %arg8[%swap3A_428, %swap3A_429], %gather3A_424 {strides = array<i32>} : memref<32x1024xf32, #tpu.memory_space<vmem>>, vector<16xf32>,
            %lt3A_431 = arith.constant 0 : i32
            %lt3A_432 = vector.broadcast %lt3A_431 : i32 to vector<16xi32>
            %lt3A_433 = arith.cmpi slt, %get3A_305, %lt3A_432 : vector<16xi32>
            %add3A_434 = arith.constant 16 : i32
            %add3A_435 = vector.broadcast %add3A_434 : i32 to vector<16xi32>
            %add3A_436 = arith.addi %get3A_305, %add3A_435 : vector<16xi32>
            %select_n3A_437 = arith.select %lt3A_433, %add3A_436, %get3A_305 : vector<16xi1>, vector<16xi32>
            %broadcast_in_dim3A_438 = vector.shape_cast %select_n3A_437 : vector<16xi32> to vector<16x1xi32>
            %gather3A_439 = vector.shape_cast %broadcast_in_dim3A_438 : vector<16x1xi32> to vector<16xi32>
            %gather3A_440 = tpu.dynamic_gather %get3A_57[%gather3A_439] in [0] : vector<16xf32>, vector<16xi32> -> vector<16xf32>
            %mul3A_441 = arith.constant 16 : i32
            %mul3A_442 = arith.muli %scan3A_260, %mul3A_441 : i32
            %swap3A_443 = arith.constant 8 : i32
            %swap3A_444 = arith.index_cast %swap3A_443 : i32 to index
            %swap3A_445 = arith.index_cast %mul3A_442 : i32 to index
            %swap3A_446 = tpu.vector_load %arg8[%swap3A_444, %swap3A_445] {strides = array<i32>} : memref<32x1024xf32, #tpu.memory_space<vmem>>, vector<16xf32>,
            tpu.vector_store %arg8[%swap3A_444, %swap3A_445], %gather3A_440 {strides = array<i32>} : memref<32x1024xf32, #tpu.memory_space<vmem>>, vector<16xf32>,
            %lt3A_447 = arith.constant 0 : i32
            %lt3A_448 = vector.broadcast %lt3A_447 : i32 to vector<16xi32>
            %lt3A_449 = arith.cmpi slt, %get3A_305, %lt3A_448 : vector<16xi32>
            %add3A_450 = arith.constant 16 : i32
            %add3A_451 = vector.broadcast %add3A_450 : i32 to vector<16xi32>
            %add3A_452 = arith.addi %get3A_305, %add3A_451 : vector<16xi32>
            %select_n3A_453 = arith.select %lt3A_449, %add3A_452, %get3A_305 : vector<16xi1>, vector<16xi32>
            %broadcast_in_dim3A_454 = vector.shape_cast %select_n3A_453 : vector<16xi32> to vector<16x1xi32>
            %gather3A_455 = vector.shape_cast %broadcast_in_dim3A_454 : vector<16x1xi32> to vector<16xi32>
            %gather3A_456 = tpu.dynamic_gather %get3A_61[%gather3A_455] in [0] : vector<16xf32>, vector<16xi32> -> vector<16xf32>
            %mul3A_457 = arith.constant 16 : i32
            %mul3A_458 = arith.muli %scan3A_260, %mul3A_457 : i32
            %swap3A_459 = arith.constant 9 : i32
            %swap3A_460 = arith.index_cast %swap3A_459 : i32 to index
            %swap3A_461 = arith.index_cast %mul3A_458 : i32 to index
            %swap3A_462 = tpu.vector_load %arg8[%swap3A_460, %swap3A_461] {strides = array<i32>} : memref<32x1024xf32, #tpu.memory_space<vmem>>, vector<16xf32>,
            tpu.vector_store %arg8[%swap3A_460, %swap3A_461], %gather3A_456 {strides = array<i32>} : memref<32x1024xf32, #tpu.memory_space<vmem>>, vector<16xf32>,
            %lt3A_463 = arith.constant 0 : i32
            %lt3A_464 = vector.broadcast %lt3A_463 : i32 to vector<16xi32>
            %lt3A_465 = arith.cmpi slt, %get3A_305, %lt3A_464 : vector<16xi32>
            %add3A_466 = arith.constant 16 : i32
            %add3A_467 = vector.broadcast %add3A_466 : i32 to vector<16xi32>
            %add3A_468 = arith.addi %get3A_305, %add3A_467 : vector<16xi32>
            %select_n3A_469 = arith.select %lt3A_465, %add3A_468, %get3A_305 : vector<16xi1>, vector<16xi32>
            %broadcast_in_dim3A_470 = vector.shape_cast %select_n3A_469 : vector<16xi32> to vector<16x1xi32>
            %gather3A_471 = vector.shape_cast %broadcast_in_dim3A_470 : vector<16x1xi32> to vector<16xi32>
            %gather3A_472 = tpu.dynamic_gather %get3A_65[%gather3A_471] in [0] : vector<16xf32>, vector<16xi32> -> vector<16xf32>
            %mul3A_473 = arith.constant 16 : i32
            %mul3A_474 = arith.muli %scan3A_260, %mul3A_473 : i32
            %swap3A_475 = arith.constant 10 : i32
            %swap3A_476 = arith.index_cast %swap3A_475 : i32 to index
            %swap3A_477 = arith.index_cast %mul3A_474 : i32 to index
            %swap3A_478 = tpu.vector_load %arg8[%swap3A_476, %swap3A_477] {strides = array<i32>} : memref<32x1024xf32, #tpu.memory_space<vmem>>, vector<16xf32>,
            tpu.vector_store %arg8[%swap3A_476, %swap3A_477], %gather3A_472 {strides = array<i32>} : memref<32x1024xf32, #tpu.memory_space<vmem>>, vector<16xf32>,
            %lt3A_479 = arith.constant 0 : i32
            %lt3A_480 = vector.broadcast %lt3A_479 : i32 to vector<16xi32>
            %lt3A_481 = arith.cmpi slt, %get3A_305, %lt3A_480 : vector<16xi32>
            %add3A_482 = arith.constant 16 : i32
            %add3A_483 = vector.broadcast %add3A_482 : i32 to vector<16xi32>
            %add3A_484 = arith.addi %get3A_305, %add3A_483 : vector<16xi32>
            %select_n3A_485 = arith.select %lt3A_481, %add3A_484, %get3A_305 : vector<16xi1>, vector<16xi32>
            %broadcast_in_dim3A_486 = vector.shape_cast %select_n3A_485 : vector<16xi32> to vector<16x1xi32>
            %gather3A_487 = vector.shape_cast %broadcast_in_dim3A_486 : vector<16x1xi32> to vector<16xi32>
            %gather3A_488 = tpu.dynamic_gather %get3A_69[%gather3A_487] in [0] : vector<16xf32>, vector<16xi32> -> vector<16xf32>
            %mul3A_489 = arith.constant 16 : i32
            %mul3A_490 = arith.muli %scan3A_260, %mul3A_489 : i32
            %swap3A_491 = arith.constant 11 : i32
            %swap3A_492 = arith.index_cast %swap3A_491 : i32 to index
            %swap3A_493 = arith.index_cast %mul3A_490 : i32 to index
            %swap3A_494 = tpu.vector_load %arg8[%swap3A_492, %swap3A_493] {strides = array<i32>} : memref<32x1024xf32, #tpu.memory_space<vmem>>, vector<16xf32>,
            tpu.vector_store %arg8[%swap3A_492, %swap3A_493], %gather3A_488 {strides = array<i32>} : memref<32x1024xf32, #tpu.memory_space<vmem>>, vector<16xf32>,
            %lt3A_495 = arith.constant 0 : i32
            %lt3A_496 = vector.broadcast %lt3A_495 : i32 to vector<16xi32>
            %lt3A_497 = arith.cmpi slt, %get3A_305, %lt3A_496 : vector<16xi32>
            %add3A_498 = arith.constant 16 : i32
            %add3A_499 = vector.broadcast %add3A_498 : i32 to vector<16xi32>
            %add3A_500 = arith.addi %get3A_305, %add3A_499 : vector<16xi32>
            %select_n3A_501 = arith.select %lt3A_497, %add3A_500, %get3A_305 : vector<16xi1>, vector<16xi32>
            %broadcast_in_dim3A_502 = vector.shape_cast %select_n3A_501 : vector<16xi32> to vector<16x1xi32>
            %gather3A_503 = vector.shape_cast %broadcast_in_dim3A_502 : vector<16x1xi32> to vector<16xi32>
            %gather3A_504 = tpu.dynamic_gather %get3A_73[%gather3A_503] in [0] : vector<16xf32>, vector<16xi32> -> vector<16xf32>
            %mul3A_505 = arith.constant 16 : i32
            %mul3A_506 = arith.muli %scan3A_260, %mul3A_505 : i32
            %swap3A_507 = arith.constant 12 : i32
            %swap3A_508 = arith.index_cast %swap3A_507 : i32 to index
            %swap3A_509 = arith.index_cast %mul3A_506 : i32 to index
            %swap3A_510 = tpu.vector_load %arg8[%swap3A_508, %swap3A_509] {strides = array<i32>} : memref<32x1024xf32, #tpu.memory_space<vmem>>, vector<16xf32>,
            tpu.vector_store %arg8[%swap3A_508, %swap3A_509], %gather3A_504 {strides = array<i32>} : memref<32x1024xf32, #tpu.memory_space<vmem>>, vector<16xf32>,
            %lt3A_511 = arith.constant 0 : i32
            %lt3A_512 = vector.broadcast %lt3A_511 : i32 to vector<16xi32>
            %lt3A_513 = arith.cmpi slt, %get3A_305, %lt3A_512 : vector<16xi32>
            %add3A_514 = arith.constant 16 : i32
            %add3A_515 = vector.broadcast %add3A_514 : i32 to vector<16xi32>
            %add3A_516 = arith.addi %get3A_305, %add3A_515 : vector<16xi32>
            %select_n3A_517 = arith.select %lt3A_513, %add3A_516, %get3A_305 : vector<16xi1>, vector<16xi32>
            %broadcast_in_dim3A_518 = vector.shape_cast %select_n3A_517 : vector<16xi32> to vector<16x1xi32>
            %gather3A_519 = vector.shape_cast %broadcast_in_dim3A_518 : vector<16x1xi32> to vector<16xi32>
            %gather3A_520 = tpu.dynamic_gather %get3A_77[%gather3A_519] in [0] : vector<16xf32>, vector<16xi32> -> vector<16xf32>
            %mul3A_521 = arith.constant 16 : i32
            %mul3A_522 = arith.muli %scan3A_260, %mul3A_521 : i32
            %swap3A_523 = arith.constant 13 : i32
            %swap3A_524 = arith.index_cast %swap3A_523 : i32 to index
            %swap3A_525 = arith.index_cast %mul3A_522 : i32 to index
            %swap3A_526 = tpu.vector_load %arg8[%swap3A_524, %swap3A_525] {strides = array<i32>} : memref<32x1024xf32, #tpu.memory_space<vmem>>, vector<16xf32>,
            tpu.vector_store %arg8[%swap3A_524, %swap3A_525], %gather3A_520 {strides = array<i32>} : memref<32x1024xf32, #tpu.memory_space<vmem>>, vector<16xf32>,
            %lt3A_527 = arith.constant 0 : i32
            %lt3A_528 = vector.broadcast %lt3A_527 : i32 to vector<16xi32>
            %lt3A_529 = arith.cmpi slt, %get3A_305, %lt3A_528 : vector<16xi32>
            %add3A_530 = arith.constant 16 : i32
            %add3A_531 = vector.broadcast %add3A_530 : i32 to vector<16xi32>
            %add3A_532 = arith.addi %get3A_305, %add3A_531 : vector<16xi32>
            %select_n3A_533 = arith.select %lt3A_529, %add3A_532, %get3A_305 : vector<16xi1>, vector<16xi32>
            %broadcast_in_dim3A_534 = vector.shape_cast %select_n3A_533 : vector<16xi32> to vector<16x1xi32>
            %gather3A_535 = vector.shape_cast %broadcast_in_dim3A_534 : vector<16x1xi32> to vector<16xi32>
            %gather3A_536 = tpu.dynamic_gather %get3A_81[%gather3A_535] in [0] : vector<16xf32>, vector<16xi32> -> vector<16xf32>
            %mul3A_537 = arith.constant 16 : i32
            %mul3A_538 = arith.muli %scan3A_260, %mul3A_537 : i32
            %swap3A_539 = arith.constant 14 : i32
            %swap3A_540 = arith.index_cast %swap3A_539 : i32 to index
            %swap3A_541 = arith.index_cast %mul3A_538 : i32 to index
            %swap3A_542 = tpu.vector_load %arg8[%swap3A_540, %swap3A_541] {strides = array<i32>} : memref<32x1024xf32, #tpu.memory_space<vmem>>, vector<16xf32>,
            tpu.vector_store %arg8[%swap3A_540, %swap3A_541], %gather3A_536 {strides = array<i32>} : memref<32x1024xf32, #tpu.memory_space<vmem>>, vector<16xf32>,
            %lt3A_543 = arith.constant 0 : i32
            %lt3A_544 = vector.broadcast %lt3A_543 : i32 to vector<16xi32>
            %lt3A_545 = arith.cmpi slt, %get3A_305, %lt3A_544 : vector<16xi32>
            %add3A_546 = arith.constant 16 : i32
            %add3A_547 = vector.broadcast %add3A_546 : i32 to vector<16xi32>
            %add3A_548 = arith.addi %get3A_305, %add3A_547 : vector<16xi32>
            %select_n3A_549 = arith.select %lt3A_545, %add3A_548, %get3A_305 : vector<16xi1>, vector<16xi32>
            %broadcast_in_dim3A_550 = vector.shape_cast %select_n3A_549 : vector<16xi32> to vector<16x1xi32>
            %gather3A_551 = vector.shape_cast %broadcast_in_dim3A_550 : vector<16x1xi32> to vector<16xi32>
            %gather3A_552 = tpu.dynamic_gather %get3A_85[%gather3A_551] in [0] : vector<16xf32>, vector<16xi32> -> vector<16xf32>
            %mul3A_553 = arith.constant 16 : i32
            %mul3A_554 = arith.muli %scan3A_260, %mul3A_553 : i32
            %swap3A_555 = arith.constant 15 : i32
            %swap3A_556 = arith.index_cast %swap3A_555 : i32 to index
            %swap3A_557 = arith.index_cast %mul3A_554 : i32 to index
            %swap3A_558 = tpu.vector_load %arg8[%swap3A_556, %swap3A_557] {strides = array<i32>} : memref<32x1024xf32, #tpu.memory_space<vmem>>, vector<16xf32>,
            tpu.vector_store %arg8[%swap3A_556, %swap3A_557], %gather3A_552 {strides = array<i32>} : memref<32x1024xf32, #tpu.memory_space<vmem>>, vector<16xf32>,
            %lt3A_559 = arith.constant 0 : i32
            %lt3A_560 = vector.broadcast %lt3A_559 : i32 to vector<16xi32>
            %lt3A_561 = arith.cmpi slt, %get3A_305, %lt3A_560 : vector<16xi32>
            %add3A_562 = arith.constant 16 : i32
            %add3A_563 = vector.broadcast %add3A_562 : i32 to vector<16xi32>
            %add3A_564 = arith.addi %get3A_305, %add3A_563 : vector<16xi32>
            %select_n3A_565 = arith.select %lt3A_561, %add3A_564, %get3A_305 : vector<16xi1>, vector<16xi32>
            %broadcast_in_dim3A_566 = vector.shape_cast %select_n3A_565 : vector<16xi32> to vector<16x1xi32>
            %gather3A_567 = vector.shape_cast %broadcast_in_dim3A_566 : vector<16x1xi32> to vector<16xi32>
            %gather3A_568 = tpu.dynamic_gather %get3A_89[%gather3A_567] in [0] : vector<16xf32>, vector<16xi32> -> vector<16xf32>
            %mul3A_569 = arith.constant 16 : i32
            %mul3A_570 = arith.muli %scan3A_260, %mul3A_569 : i32
            %swap3A_571 = arith.constant 16 : i32
            %swap3A_572 = arith.index_cast %swap3A_571 : i32 to index
            %swap3A_573 = arith.index_cast %mul3A_570 : i32 to index
            %swap3A_574 = tpu.vector_load %arg8[%swap3A_572, %swap3A_573] {strides = array<i32>} : memref<32x1024xf32, #tpu.memory_space<vmem>>, vector<16xf32>,
            tpu.vector_store %arg8[%swap3A_572, %swap3A_573], %gather3A_568 {strides = array<i32>} : memref<32x1024xf32, #tpu.memory_space<vmem>>, vector<16xf32>,
            %lt3A_575 = arith.constant 0 : i32
            %lt3A_576 = vector.broadcast %lt3A_575 : i32 to vector<16xi32>
            %lt3A_577 = arith.cmpi slt, %get3A_305, %lt3A_576 : vector<16xi32>
            %add3A_578 = arith.constant 16 : i32
            %add3A_579 = vector.broadcast %add3A_578 : i32 to vector<16xi32>
            %add3A_580 = arith.addi %get3A_305, %add3A_579 : vector<16xi32>
            %select_n3A_581 = arith.select %lt3A_577, %add3A_580, %get3A_305 : vector<16xi1>, vector<16xi32>
            %broadcast_in_dim3A_582 = vector.shape_cast %select_n3A_581 : vector<16xi32> to vector<16x1xi32>
            %gather3A_583 = vector.shape_cast %broadcast_in_dim3A_582 : vector<16x1xi32> to vector<16xi32>
            %gather3A_584 = tpu.dynamic_gather %get3A_93[%gather3A_583] in [0] : vector<16xf32>, vector<16xi32> -> vector<16xf32>
            %mul3A_585 = arith.constant 16 : i32
            %mul3A_586 = arith.muli %scan3A_260, %mul3A_585 : i32
            %swap3A_587 = arith.constant 17 : i32
            %swap3A_588 = arith.index_cast %swap3A_587 : i32 to index
            %swap3A_589 = arith.index_cast %mul3A_586 : i32 to index
            %swap3A_590 = tpu.vector_load %arg8[%swap3A_588, %swap3A_589] {strides = array<i32>} : memref<32x1024xf32, #tpu.memory_space<vmem>>, vector<16xf32>,
            tpu.vector_store %arg8[%swap3A_588, %swap3A_589], %gather3A_584 {strides = array<i32>} : memref<32x1024xf32, #tpu.memory_space<vmem>>, vector<16xf32>,
            %lt3A_591 = arith.constant 0 : i32
            %lt3A_592 = vector.broadcast %lt3A_591 : i32 to vector<16xi32>
            %lt3A_593 = arith.cmpi slt, %get3A_305, %lt3A_592 : vector<16xi32>
            %add3A_594 = arith.constant 16 : i32
            %add3A_595 = vector.broadcast %add3A_594 : i32 to vector<16xi32>
            %add3A_596 = arith.addi %get3A_305, %add3A_595 : vector<16xi32>
            %select_n3A_597 = arith.select %lt3A_593, %add3A_596, %get3A_305 : vector<16xi1>, vector<16xi32>
            %broadcast_in_dim3A_598 = vector.shape_cast %select_n3A_597 : vector<16xi32> to vector<16x1xi32>
            %gather3A_599 = vector.shape_cast %broadcast_in_dim3A_598 : vector<16x1xi32> to vector<16xi32>
            %gather3A_600 = tpu.dynamic_gather %get3A_97[%gather3A_599] in [0] : vector<16xf32>, vector<16xi32> -> vector<16xf32>
            %mul3A_601 = arith.constant 16 : i32
            %mul3A_602 = arith.muli %scan3A_260, %mul3A_601 : i32
            %swap3A_603 = arith.constant 18 : i32
            %swap3A_604 = arith.index_cast %swap3A_603 : i32 to index
            %swap3A_605 = arith.index_cast %mul3A_602 : i32 to index
            %swap3A_606 = tpu.vector_load %arg8[%swap3A_604, %swap3A_605] {strides = array<i32>} : memref<32x1024xf32, #tpu.memory_space<vmem>>, vector<16xf32>,
            tpu.vector_store %arg8[%swap3A_604, %swap3A_605], %gather3A_600 {strides = array<i32>} : memref<32x1024xf32, #tpu.memory_space<vmem>>, vector<16xf32>,
            %lt3A_607 = arith.constant 0 : i32
            %lt3A_608 = vector.broadcast %lt3A_607 : i32 to vector<16xi32>
            %lt3A_609 = arith.cmpi slt, %get3A_305, %lt3A_608 : vector<16xi32>
            %add3A_610 = arith.constant 16 : i32
            %add3A_611 = vector.broadcast %add3A_610 : i32 to vector<16xi32>
            %add3A_612 = arith.addi %get3A_305, %add3A_611 : vector<16xi32>
            %select_n3A_613 = arith.select %lt3A_609, %add3A_612, %get3A_305 : vector<16xi1>, vector<16xi32>
            %broadcast_in_dim3A_614 = vector.shape_cast %select_n3A_613 : vector<16xi32> to vector<16x1xi32>
            %gather3A_615 = vector.shape_cast %broadcast_in_dim3A_614 : vector<16x1xi32> to vector<16xi32>
            %gather3A_616 = tpu.dynamic_gather %get3A_101[%gather3A_615] in [0] : vector<16xf32>, vector<16xi32> -> vector<16xf32>
            %mul3A_617 = arith.constant 16 : i32
            %mul3A_618 = arith.muli %scan3A_260, %mul3A_617 : i32
            %swap3A_619 = arith.constant 19 : i32
            %swap3A_620 = arith.index_cast %swap3A_619 : i32 to index
            %swap3A_621 = arith.index_cast %mul3A_618 : i32 to index
            %swap3A_622 = tpu.vector_load %arg8[%swap3A_620, %swap3A_621] {strides = array<i32>} : memref<32x1024xf32, #tpu.memory_space<vmem>>, vector<16xf32>,
            tpu.vector_store %arg8[%swap3A_620, %swap3A_621], %gather3A_616 {strides = array<i32>} : memref<32x1024xf32, #tpu.memory_space<vmem>>, vector<16xf32>,
            %lt3A_623 = arith.constant 0 : i32
            %lt3A_624 = vector.broadcast %lt3A_623 : i32 to vector<16xi32>
            %lt3A_625 = arith.cmpi slt, %get3A_305, %lt3A_624 : vector<16xi32>
            %add3A_626 = arith.constant 16 : i32
            %add3A_627 = vector.broadcast %add3A_626 : i32 to vector<16xi32>
            %add3A_628 = arith.addi %get3A_305, %add3A_627 : vector<16xi32>
            %select_n3A_629 = arith.select %lt3A_625, %add3A_628, %get3A_305 : vector<16xi1>, vector<16xi32>
            %broadcast_in_dim3A_630 = vector.shape_cast %select_n3A_629 : vector<16xi32> to vector<16x1xi32>
            %gather3A_631 = vector.shape_cast %broadcast_in_dim3A_630 : vector<16x1xi32> to vector<16xi32>
            %gather3A_632 = tpu.dynamic_gather %get3A_105[%gather3A_631] in [0] : vector<16xf32>, vector<16xi32> -> vector<16xf32>
            %mul3A_633 = arith.constant 16 : i32
            %mul3A_634 = arith.muli %scan3A_260, %mul3A_633 : i32
            %swap3A_635 = arith.constant 20 : i32
            %swap3A_636 = arith.index_cast %swap3A_635 : i32 to index
            %swap3A_637 = arith.index_cast %mul3A_634 : i32 to index
            %swap3A_638 = tpu.vector_load %arg8[%swap3A_636, %swap3A_637] {strides = array<i32>} : memref<32x1024xf32, #tpu.memory_space<vmem>>, vector<16xf32>,
            tpu.vector_store %arg8[%swap3A_636, %swap3A_637], %gather3A_632 {strides = array<i32>} : memref<32x1024xf32, #tpu.memory_space<vmem>>, vector<16xf32>,
            %lt3A_639 = arith.constant 0 : i32
            %lt3A_640 = vector.broadcast %lt3A_639 : i32 to vector<16xi32>
            %lt3A_641 = arith.cmpi slt, %get3A_305, %lt3A_640 : vector<16xi32>
            %add3A_642 = arith.constant 16 : i32
            %add3A_643 = vector.broadcast %add3A_642 : i32 to vector<16xi32>
            %add3A_644 = arith.addi %get3A_305, %add3A_643 : vector<16xi32>
            %select_n3A_645 = arith.select %lt3A_641, %add3A_644, %get3A_305 : vector<16xi1>, vector<16xi32>
            %broadcast_in_dim3A_646 = vector.shape_cast %select_n3A_645 : vector<16xi32> to vector<16x1xi32>
            %gather3A_647 = vector.shape_cast %broadcast_in_dim3A_646 : vector<16x1xi32> to vector<16xi32>
            %gather3A_648 = tpu.dynamic_gather %get3A_109[%gather3A_647] in [0] : vector<16xf32>, vector<16xi32> -> vector<16xf32>
            %mul3A_649 = arith.constant 16 : i32
            %mul3A_650 = arith.muli %scan3A_260, %mul3A_649 : i32
            %swap3A_651 = arith.constant 21 : i32
            %swap3A_652 = arith.index_cast %swap3A_651 : i32 to index
            %swap3A_653 = arith.index_cast %mul3A_650 : i32 to index
            %swap3A_654 = tpu.vector_load %arg8[%swap3A_652, %swap3A_653] {strides = array<i32>} : memref<32x1024xf32, #tpu.memory_space<vmem>>, vector<16xf32>,
            tpu.vector_store %arg8[%swap3A_652, %swap3A_653], %gather3A_648 {strides = array<i32>} : memref<32x1024xf32, #tpu.memory_space<vmem>>, vector<16xf32>,
            %lt3A_655 = arith.constant 0 : i32
            %lt3A_656 = vector.broadcast %lt3A_655 : i32 to vector<16xi32>
            %lt3A_657 = arith.cmpi slt, %get3A_305, %lt3A_656 : vector<16xi32>
            %add3A_658 = arith.constant 16 : i32
            %add3A_659 = vector.broadcast %add3A_658 : i32 to vector<16xi32>
            %add3A_660 = arith.addi %get3A_305, %add3A_659 : vector<16xi32>
            %select_n3A_661 = arith.select %lt3A_657, %add3A_660, %get3A_305 : vector<16xi1>, vector<16xi32>
            %broadcast_in_dim3A_662 = vector.shape_cast %select_n3A_661 : vector<16xi32> to vector<16x1xi32>
            %gather3A_663 = vector.shape_cast %broadcast_in_dim3A_662 : vector<16x1xi32> to vector<16xi32>
            %gather3A_664 = tpu.dynamic_gather %get3A_113[%gather3A_663] in [0] : vector<16xf32>, vector<16xi32> -> vector<16xf32>
            %mul3A_665 = arith.constant 16 : i32
            %mul3A_666 = arith.muli %scan3A_260, %mul3A_665 : i32
            %swap3A_667 = arith.constant 22 : i32
            %swap3A_668 = arith.index_cast %swap3A_667 : i32 to index
            %swap3A_669 = arith.index_cast %mul3A_666 : i32 to index
            %swap3A_670 = tpu.vector_load %arg8[%swap3A_668, %swap3A_669] {strides = array<i32>} : memref<32x1024xf32, #tpu.memory_space<vmem>>, vector<16xf32>,
            tpu.vector_store %arg8[%swap3A_668, %swap3A_669], %gather3A_664 {strides = array<i32>} : memref<32x1024xf32, #tpu.memory_space<vmem>>, vector<16xf32>,
            %lt3A_671 = arith.constant 0 : i32
            %lt3A_672 = vector.broadcast %lt3A_671 : i32 to vector<16xi32>
            %lt3A_673 = arith.cmpi slt, %get3A_305, %lt3A_672 : vector<16xi32>
            %add3A_674 = arith.constant 16 : i32
            %add3A_675 = vector.broadcast %add3A_674 : i32 to vector<16xi32>
            %add3A_676 = arith.addi %get3A_305, %add3A_675 : vector<16xi32>
            %select_n3A_677 = arith.select %lt3A_673, %add3A_676, %get3A_305 : vector<16xi1>, vector<16xi32>
            %broadcast_in_dim3A_678 = vector.shape_cast %select_n3A_677 : vector<16xi32> to vector<16x1xi32>
            %gather3A_679 = vector.shape_cast %broadcast_in_dim3A_678 : vector<16x1xi32> to vector<16xi32>
            %gather3A_680 = tpu.dynamic_gather %get3A_117[%gather3A_679] in [0] : vector<16xf32>, vector<16xi32> -> vector<16xf32>
            %mul3A_681 = arith.constant 16 : i32
            %mul3A_682 = arith.muli %scan3A_260, %mul3A_681 : i32
            %swap3A_683 = arith.constant 23 : i32
            %swap3A_684 = arith.index_cast %swap3A_683 : i32 to index
            %swap3A_685 = arith.index_cast %mul3A_682 : i32 to index
            %swap3A_686 = tpu.vector_load %arg8[%swap3A_684, %swap3A_685] {strides = array<i32>} : memref<32x1024xf32, #tpu.memory_space<vmem>>, vector<16xf32>,
            tpu.vector_store %arg8[%swap3A_684, %swap3A_685], %gather3A_680 {strides = array<i32>} : memref<32x1024xf32, #tpu.memory_space<vmem>>, vector<16xf32>,
            %lt3A_687 = arith.constant 0 : i32
            %lt3A_688 = vector.broadcast %lt3A_687 : i32 to vector<16xi32>
            %lt3A_689 = arith.cmpi slt, %get3A_305, %lt3A_688 : vector<16xi32>
            %add3A_690 = arith.constant 16 : i32
            %add3A_691 = vector.broadcast %add3A_690 : i32 to vector<16xi32>
            %add3A_692 = arith.addi %get3A_305, %add3A_691 : vector<16xi32>
            %select_n3A_693 = arith.select %lt3A_689, %add3A_692, %get3A_305 : vector<16xi1>, vector<16xi32>
            %broadcast_in_dim3A_694 = vector.shape_cast %select_n3A_693 : vector<16xi32> to vector<16x1xi32>
            %gather3A_695 = vector.shape_cast %broadcast_in_dim3A_694 : vector<16x1xi32> to vector<16xi32>
            %gather3A_696 = tpu.dynamic_gather %get3A_121[%gather3A_695] in [0] : vector<16xf32>, vector<16xi32> -> vector<16xf32>
            %mul3A_697 = arith.constant 16 : i32
            %mul3A_698 = arith.muli %scan3A_260, %mul3A_697 : i32
            %swap3A_699 = arith.constant 24 : i32
            %swap3A_700 = arith.index_cast %swap3A_699 : i32 to index
            %swap3A_701 = arith.index_cast %mul3A_698 : i32 to index
            %swap3A_702 = tpu.vector_load %arg8[%swap3A_700, %swap3A_701] {strides = array<i32>} : memref<32x1024xf32, #tpu.memory_space<vmem>>, vector<16xf32>,
            tpu.vector_store %arg8[%swap3A_700, %swap3A_701], %gather3A_696 {strides = array<i32>} : memref<32x1024xf32, #tpu.memory_space<vmem>>, vector<16xf32>,
            %lt3A_703 = arith.constant 0 : i32
            %lt3A_704 = vector.broadcast %lt3A_703 : i32 to vector<16xi32>
            %lt3A_705 = arith.cmpi slt, %get3A_305, %lt3A_704 : vector<16xi32>
            %add3A_706 = arith.constant 16 : i32
            %add3A_707 = vector.broadcast %add3A_706 : i32 to vector<16xi32>
            %add3A_708 = arith.addi %get3A_305, %add3A_707 : vector<16xi32>
            %select_n3A_709 = arith.select %lt3A_705, %add3A_708, %get3A_305 : vector<16xi1>, vector<16xi32>
            %broadcast_in_dim3A_710 = vector.shape_cast %select_n3A_709 : vector<16xi32> to vector<16x1xi32>
            %gather3A_711 = vector.shape_cast %broadcast_in_dim3A_710 : vector<16x1xi32> to vector<16xi32>
            %gather3A_712 = tpu.dynamic_gather %get3A_125[%gather3A_711] in [0] : vector<16xf32>, vector<16xi32> -> vector<16xf32>
            %mul3A_713 = arith.constant 16 : i32
            %mul3A_714 = arith.muli %scan3A_260, %mul3A_713 : i32
            %swap3A_715 = arith.constant 25 : i32
            %swap3A_716 = arith.index_cast %swap3A_715 : i32 to index
            %swap3A_717 = arith.index_cast %mul3A_714 : i32 to index
            %swap3A_718 = tpu.vector_load %arg8[%swap3A_716, %swap3A_717] {strides = array<i32>} : memref<32x1024xf32, #tpu.memory_space<vmem>>, vector<16xf32>,
            tpu.vector_store %arg8[%swap3A_716, %swap3A_717], %gather3A_712 {strides = array<i32>} : memref<32x1024xf32, #tpu.memory_space<vmem>>, vector<16xf32>,
            %lt3A_719 = arith.constant 0 : i32
            %lt3A_720 = vector.broadcast %lt3A_719 : i32 to vector<16xi32>
            %lt3A_721 = arith.cmpi slt, %get3A_305, %lt3A_720 : vector<16xi32>
            %add3A_722 = arith.constant 16 : i32
            %add3A_723 = vector.broadcast %add3A_722 : i32 to vector<16xi32>
            %add3A_724 = arith.addi %get3A_305, %add3A_723 : vector<16xi32>
            %select_n3A_725 = arith.select %lt3A_721, %add3A_724, %get3A_305 : vector<16xi1>, vector<16xi32>
            %broadcast_in_dim3A_726 = vector.shape_cast %select_n3A_725 : vector<16xi32> to vector<16x1xi32>
            %gather3A_727 = vector.shape_cast %broadcast_in_dim3A_726 : vector<16x1xi32> to vector<16xi32>
            %gather3A_728 = tpu.dynamic_gather %get3A_129[%gather3A_727] in [0] : vector<16xf32>, vector<16xi32> -> vector<16xf32>
            %mul3A_729 = arith.constant 16 : i32
            %mul3A_730 = arith.muli %scan3A_260, %mul3A_729 : i32
            %swap3A_731 = arith.constant 26 : i32
            %swap3A_732 = arith.index_cast %swap3A_731 : i32 to index
            %swap3A_733 = arith.index_cast %mul3A_730 : i32 to index
            %swap3A_734 = tpu.vector_load %arg8[%swap3A_732, %swap3A_733] {strides = array<i32>} : memref<32x1024xf32, #tpu.memory_space<vmem>>, vector<16xf32>,
            tpu.vector_store %arg8[%swap3A_732, %swap3A_733], %gather3A_728 {strides = array<i32>} : memref<32x1024xf32, #tpu.memory_space<vmem>>, vector<16xf32>,
            %lt3A_735 = arith.constant 0 : i32
            %lt3A_736 = vector.broadcast %lt3A_735 : i32 to vector<16xi32>
            %lt3A_737 = arith.cmpi slt, %get3A_305, %lt3A_736 : vector<16xi32>
            %add3A_738 = arith.constant 16 : i32
            %add3A_739 = vector.broadcast %add3A_738 : i32 to vector<16xi32>
            %add3A_740 = arith.addi %get3A_305, %add3A_739 : vector<16xi32>
            %select_n3A_741 = arith.select %lt3A_737, %add3A_740, %get3A_305 : vector<16xi1>, vector<16xi32>
            %broadcast_in_dim3A_742 = vector.shape_cast %select_n3A_741 : vector<16xi32> to vector<16x1xi32>
            %gather3A_743 = vector.shape_cast %broadcast_in_dim3A_742 : vector<16x1xi32> to vector<16xi32>
            %gather3A_744 = tpu.dynamic_gather %get3A_133[%gather3A_743] in [0] : vector<16xf32>, vector<16xi32> -> vector<16xf32>
            %mul3A_745 = arith.constant 16 : i32
            %mul3A_746 = arith.muli %scan3A_260, %mul3A_745 : i32
            %swap3A_747 = arith.constant 27 : i32
            %swap3A_748 = arith.index_cast %swap3A_747 : i32 to index
            %swap3A_749 = arith.index_cast %mul3A_746 : i32 to index
            %swap3A_750 = tpu.vector_load %arg8[%swap3A_748, %swap3A_749] {strides = array<i32>} : memref<32x1024xf32, #tpu.memory_space<vmem>>, vector<16xf32>,
            tpu.vector_store %arg8[%swap3A_748, %swap3A_749], %gather3A_744 {strides = array<i32>} : memref<32x1024xf32, #tpu.memory_space<vmem>>, vector<16xf32>,
            %lt3A_751 = arith.constant 0 : i32
            %lt3A_752 = vector.broadcast %lt3A_751 : i32 to vector<16xi32>
            %lt3A_753 = arith.cmpi slt, %get3A_305, %lt3A_752 : vector<16xi32>
            %add3A_754 = arith.constant 16 : i32
            %add3A_755 = vector.broadcast %add3A_754 : i32 to vector<16xi32>
            %add3A_756 = arith.addi %get3A_305, %add3A_755 : vector<16xi32>
            %select_n3A_757 = arith.select %lt3A_753, %add3A_756, %get3A_305 : vector<16xi1>, vector<16xi32>
            %broadcast_in_dim3A_758 = vector.shape_cast %select_n3A_757 : vector<16xi32> to vector<16x1xi32>
            %gather3A_759 = vector.shape_cast %broadcast_in_dim3A_758 : vector<16x1xi32> to vector<16xi32>
            %gather3A_760 = tpu.dynamic_gather %get3A_137[%gather3A_759] in [0] : vector<16xf32>, vector<16xi32> -> vector<16xf32>
            %mul3A_761 = arith.constant 16 : i32
            %mul3A_762 = arith.muli %scan3A_260, %mul3A_761 : i32
            %swap3A_763 = arith.constant 28 : i32
            %swap3A_764 = arith.index_cast %swap3A_763 : i32 to index
            %swap3A_765 = arith.index_cast %mul3A_762 : i32 to index
            %swap3A_766 = tpu.vector_load %arg8[%swap3A_764, %swap3A_765] {strides = array<i32>} : memref<32x1024xf32, #tpu.memory_space<vmem>>, vector<16xf32>,
            tpu.vector_store %arg8[%swap3A_764, %swap3A_765], %gather3A_760 {strides = array<i32>} : memref<32x1024xf32, #tpu.memory_space<vmem>>, vector<16xf32>,
            %lt3A_767 = arith.constant 0 : i32
            %lt3A_768 = vector.broadcast %lt3A_767 : i32 to vector<16xi32>
            %lt3A_769 = arith.cmpi slt, %get3A_305, %lt3A_768 : vector<16xi32>
            %add3A_770 = arith.constant 16 : i32
            %add3A_771 = vector.broadcast %add3A_770 : i32 to vector<16xi32>
            %add3A_772 = arith.addi %get3A_305, %add3A_771 : vector<16xi32>
            %select_n3A_773 = arith.select %lt3A_769, %add3A_772, %get3A_305 : vector<16xi1>, vector<16xi32>
            %broadcast_in_dim3A_774 = vector.shape_cast %select_n3A_773 : vector<16xi32> to vector<16x1xi32>
            %gather3A_775 = vector.shape_cast %broadcast_in_dim3A_774 : vector<16x1xi32> to vector<16xi32>
            %gather3A_776 = tpu.dynamic_gather %get3A_141[%gather3A_775] in [0] : vector<16xf32>, vector<16xi32> -> vector<16xf32>
            %mul3A_777 = arith.constant 16 : i32
            %mul3A_778 = arith.muli %scan3A_260, %mul3A_777 : i32
            %swap3A_779 = arith.constant 29 : i32
            %swap3A_780 = arith.index_cast %swap3A_779 : i32 to index
            %swap3A_781 = arith.index_cast %mul3A_778 : i32 to index
            %swap3A_782 = tpu.vector_load %arg8[%swap3A_780, %swap3A_781] {strides = array<i32>} : memref<32x1024xf32, #tpu.memory_space<vmem>>, vector<16xf32>,
            tpu.vector_store %arg8[%swap3A_780, %swap3A_781], %gather3A_776 {strides = array<i32>} : memref<32x1024xf32, #tpu.memory_space<vmem>>, vector<16xf32>,
            %lt3A_783 = arith.constant 0 : i32
            %lt3A_784 = vector.broadcast %lt3A_783 : i32 to vector<16xi32>
            %lt3A_785 = arith.cmpi slt, %get3A_305, %lt3A_784 : vector<16xi32>
            %add3A_786 = arith.constant 16 : i32
            %add3A_787 = vector.broadcast %add3A_786 : i32 to vector<16xi32>
            %add3A_788 = arith.addi %get3A_305, %add3A_787 : vector<16xi32>
            %select_n3A_789 = arith.select %lt3A_785, %add3A_788, %get3A_305 : vector<16xi1>, vector<16xi32>
            %broadcast_in_dim3A_790 = vector.shape_cast %select_n3A_789 : vector<16xi32> to vector<16x1xi32>
            %gather3A_791 = vector.shape_cast %broadcast_in_dim3A_790 : vector<16x1xi32> to vector<16xi32>
            %gather3A_792 = tpu.dynamic_gather %get3A_145[%gather3A_791] in [0] : vector<16xf32>, vector<16xi32> -> vector<16xf32>
            %mul3A_793 = arith.constant 16 : i32
            %mul3A_794 = arith.muli %scan3A_260, %mul3A_793 : i32
            %swap3A_795 = arith.constant 30 : i32
            %swap3A_796 = arith.index_cast %swap3A_795 : i32 to index
            %swap3A_797 = arith.index_cast %mul3A_794 : i32 to index
            %swap3A_798 = tpu.vector_load %arg8[%swap3A_796, %swap3A_797] {strides = array<i32>} : memref<32x1024xf32, #tpu.memory_space<vmem>>, vector<16xf32>,
            tpu.vector_store %arg8[%swap3A_796, %swap3A_797], %gather3A_792 {strides = array<i32>} : memref<32x1024xf32, #tpu.memory_space<vmem>>, vector<16xf32>,
            %lt3A_799 = arith.constant 0 : i32
            %lt3A_800 = vector.broadcast %lt3A_799 : i32 to vector<16xi32>
            %lt3A_801 = arith.cmpi slt, %get3A_305, %lt3A_800 : vector<16xi32>
            %add3A_802 = arith.constant 16 : i32
            %add3A_803 = vector.broadcast %add3A_802 : i32 to vector<16xi32>
            %add3A_804 = arith.addi %get3A_305, %add3A_803 : vector<16xi32>
            %select_n3A_805 = arith.select %lt3A_801, %add3A_804, %get3A_305 : vector<16xi1>, vector<16xi32>
            %broadcast_in_dim3A_806 = vector.shape_cast %select_n3A_805 : vector<16xi32> to vector<16x1xi32>
            %gather3A_807 = vector.shape_cast %broadcast_in_dim3A_806 : vector<16x1xi32> to vector<16xi32>
            %gather3A_808 = tpu.dynamic_gather %get3A_149[%gather3A_807] in [0] : vector<16xf32>, vector<16xi32> -> vector<16xf32>
            %mul3A_809 = arith.constant 16 : i32
            %mul3A_810 = arith.muli %scan3A_260, %mul3A_809 : i32
            %swap3A_811 = arith.constant 31 : i32
            %swap3A_812 = arith.index_cast %swap3A_811 : i32 to index
            %swap3A_813 = arith.index_cast %mul3A_810 : i32 to index
            %swap3A_814 = tpu.vector_load %arg8[%swap3A_812, %swap3A_813] {strides = array<i32>} : memref<32x1024xf32, #tpu.memory_space<vmem>>, vector<16xf32>,
            tpu.vector_store %arg8[%swap3A_812, %swap3A_813], %gather3A_808 {strides = array<i32>} : memref<32x1024xf32, #tpu.memory_space<vmem>>, vector<16xf32>,
          }
          %scan3A_250 = arith.constant 64 : i32
          %mul3A_251 = arith.constant 32 : i32
          %mul3A_252 = arith.muli %scan3A_211, %mul3A_251 : i32
          %add3A_253 = arith.addi %add3A, %mul3A_252 : i32
          %mul3A_254 = arith.constant 1024 : i32
          %mul3A_255 = arith.muli %add3A_253, %mul3A_254 : i32
          %dma_start3A_256 = arith.constant 0 : i32
          %dma_start3A_257 = tpu.memref_slice %arg5[%dma_start3A_256, %mul3A_255] : memref<32x1600000xf32, #tpu.memory_space<hbm>> -> memref<32x1024xf32, #tpu.memory_space<hbm>>
          %dma_start3A_258 = arith.constant 0 : i32
          %dma_start3A_259 = tpu.memref_slice %arg5[%dma_start3A_258, %mul3A_255] : memref<32x1600000xf32, #tpu.memory_space<hbm>> -> memref<32x1024xf32, #tpu.memory_space<hbm>>
          tpu.enqueue_dma source(%arg8 : memref<32x1024xf32, #tpu.memory_space<vmem>>) target(%dma_start3A_259 : memref<32x1024xf32, #tpu.memory_space<hbm>>) target_semaphore(%arg14 : memref<!tpu.dma_semaphore, #tpu.memory_space<semaphore_mem>>)
        } else {
        }
      } else {
      }
      %rem3A_219 = arith.constant 2 : i32
      %rem3A_220 = arith.remsi %scan3A_211, %rem3A_219 : i32
      %eq3A_221 = arith.constant 1 : i32
      %eq3A_222 = arith.cmpi eq, %rem3A_220, %eq3A_221 : i32
      %convert_element_type3A_223 = arith.extui %eq3A_222 : i1 to i32
      %cond3A_224 = arith.constant 0 : i32
      %cond3A_225 = arith.cmpi ne, %convert_element_type3A_223, %cond3A_224 : i32
      scf.if %cond3A_225 {
        %add3A_226 = arith.constant 1 : i32
        %add3A_227 = arith.addi %scan3A_211, %add3A_226 : i32
        %lt3A = arith.cmpi slt, %add3A_227, %select_n3A : i32
        %convert_element_type3A_228 = arith.extui %lt3A : i1 to i32
        %cond3A_229 = arith.constant 0 : i32
        %cond3A_230 = arith.cmpi ne, %convert_element_type3A_228, %cond3A_229 : i32
        scf.if %cond3A_230 {
          %add3A_235 = arith.constant 1 : i32
          %add3A_236 = arith.addi %scan3A_211, %add3A_235 : i32
          %mul3A_237 = arith.constant 32 : i32
          %mul3A_238 = arith.muli %add3A_236, %mul3A_237 : i32
          %add3A_239 = arith.addi %add3A, %mul3A_238 : i32
          %mul3A_240 = arith.constant 8 : i32
          %mul3A_241 = arith.muli %add3A_239, %mul3A_240 : i32
          %dma_start3A_242 = arith.constant 0 : i32
          %dma_start3A_243 = tpu.memref_slice %arg2[%mul3A_241, %dma_start3A_242] : memref<12500x128xi32, #tpu.memory_space<hbm>> -> memref<8x128xi32, #tpu.memory_space<hbm>>
          %dma_start3A_244 = arith.constant 0 : i32
          %dma_start3A_245 = tpu.memref_slice %arg2[%mul3A_241, %dma_start3A_244] : memref<12500x128xi32, #tpu.memory_space<hbm>> -> memref<8x128xi32, #tpu.memory_space<hbm>>
          tpu.enqueue_dma source(%dma_start3A_245 : memref<8x128xi32, #tpu.memory_space<hbm>>) target(%arg6 : memref<8x128xi32, #tpu.memory_space<vmem>>) target_semaphore(%arg12 : memref<!tpu.dma_semaphore, #tpu.memory_space<semaphore_mem>>)
        } else {
        }
        %lt3A_231 = arith.cmpi slt, %scan3A_211, %select_n3A : i32
        %convert_element_type3A_232 = arith.extui %lt3A_231 : i1 to i32
        %cond3A_233 = arith.constant 0 : i32
        %cond3A_234 = arith.cmpi ne, %convert_element_type3A_232, %cond3A_233 : i32
        scf.if %cond3A_234 {
          %ge3A_235 = arith.constant 2 : i32
          %ge3A_236 = arith.cmpi sge, %scan3A_211, %ge3A_235 : i32
          %convert_element_type3A_237 = arith.extui %ge3A_236 : i1 to i32
          %cond3A_238 = arith.constant 0 : i32
          %cond3A_239 = arith.cmpi ne, %convert_element_type3A_237, %cond3A_238 : i32
          scf.if %cond3A_239 {
            %dma_wait3A_260 = arith.constant 0 : i32
            %dma_wait3A_261 = arith.constant 0 : i32
            %dma_wait3A_262 = tpu.memref_slice %arg5[%dma_wait3A_260, %dma_wait3A_261] : memref<32x1600000xf32, #tpu.memory_space<hbm>> -> memref<32x1024xf32, #tpu.memory_space<hbm>>
            %dma_wait3A_263 = arith.constant 0 : i32
            %dma_wait3A_264 = arith.constant 0 : i32
            %dma_wait3A_265 = tpu.memref_slice %arg5[%dma_wait3A_263, %dma_wait3A_264] : memref<32x1600000xf32, #tpu.memory_space<hbm>> -> memref<32x1024xf32, #tpu.memory_space<hbm>>
            tpu.wait_dma2 semaphore(%arg15 : memref<!tpu.dma_semaphore, #tpu.memory_space<semaphore_mem>>) src(%arg9 : memref<32x1024xf32, #tpu.memory_space<vmem>>) dst(%dma_wait3A_265 : memref<32x1024xf32, #tpu.memory_space<hbm>>)
          } else {
          }
          %dma_wait3A = arith.constant 0 : i32
          %dma_wait3A_240 = arith.constant 0 : i32
          %dma_wait3A_241 = tpu.memref_slice %arg2[%dma_wait3A, %dma_wait3A_240] : memref<12500x128xi32, #tpu.memory_space<hbm>> -> memref<8x128xi32, #tpu.memory_space<hbm>>
          %dma_wait3A_242 = arith.constant 0 : i32
          %dma_wait3A_243 = arith.constant 0 : i32
          %dma_wait3A_244 = tpu.memref_slice %arg2[%dma_wait3A_242, %dma_wait3A_243] : memref<12500x128xi32, #tpu.memory_space<hbm>> -> memref<8x128xi32, #tpu.memory_space<hbm>>
          tpu.wait_dma2 semaphore(%arg13 : memref<!tpu.dma_semaphore, #tpu.memory_space<semaphore_mem>>) src(%dma_wait3A_244 : memref<8x128xi32, #tpu.memory_space<hbm>>) dst(%arg7 : memref<8x128xi32, #tpu.memory_space<vmem>>)
          %scan3A_245 = arith.constant 0 : i32
          %scan3A_246 = arith.constant 0 : i32
          %scan3A_247 = arith.constant 64 : i32
          %scan3A_248 = arith.addi %scan3A_246, %scan3A_247 : i32
          %scan3A_249 = arith.constant 1 : i32
          scf.for %scan3A_260 = %scan3A_246 to %scan3A_248 step %scan3A_249  : i32 {
            %jit3A_261 = arith.constant 8 : i32
            %div3A_262 = arith.divsi %scan3A_260, %jit3A_261 : i32
            %sign3A_263 = arith.constant 0 : i32
            %sign3A_264 = arith.cmpi sgt, %scan3A_260, %sign3A_263 : i32
            %sign3A_265 = arith.extui %sign3A_264 : i1 to i32
            %sign3A_266 = arith.constant 0 : i32
            %sign3A_267 = arith.cmpi slt, %scan3A_260, %sign3A_266 : i32
            %sign3A_268 = arith.extui %sign3A_267 : i1 to i32
            %sign3A_269 = arith.subi %sign3A_265, %sign3A_268 : i32
            %sign3A_270 = arith.constant 0 : i32
            %sign3A_271 = arith.cmpi sgt, %jit3A_261, %sign3A_270 : i32
            %sign3A_272 = arith.extui %sign3A_271 : i1 to i32
            %sign3A_273 = arith.constant 0 : i32
            %sign3A_274 = arith.cmpi slt, %jit3A_261, %sign3A_273 : i32
            %sign3A_275 = arith.extui %sign3A_274 : i1 to i32
            %sign3A_276 = arith.subi %sign3A_272, %sign3A_275 : i32
            %ne3A_277 = arith.cmpi ne, %sign3A_269, %sign3A_276 : i32
            %rem3A_278 = arith.remsi %scan3A_260, %jit3A_261 : i32
            %ne3A_279 = arith.constant 0 : i32
            %ne3A_280 = arith.cmpi ne, %rem3A_278, %ne3A_279 : i32
            %and3A_281 = arith.andi %ne3A_277, %ne3A_280 : i1
            %sub3A_282 = arith.constant 1 : i32
            %sub3A_283 = arith.subi %div3A_262, %sub3A_282 : i32
            %select_n3A_284 = arith.select %and3A_281, %sub3A_283, %div3A_262 : i32
            %jit3A_285 = arith.constant 8 : i32
            %eq3A_286 = arith.constant 0 : i32
            %eq3A_287 = arith.cmpi eq, %jit3A_285, %eq3A_286 : i32
            %jit3A_288 = arith.constant 1 : i32
            %select_n3A_289 = arith.select %eq3A_287, %jit3A_288, %jit3A_285 : i32
            %rem3A_290 = arith.remsi %scan3A_260, %select_n3A_289 : i32
            %ne3A_291 = arith.constant 0 : i32
            %ne3A_292 = arith.cmpi ne, %rem3A_290, %ne3A_291 : i32
            %lt3A_293 = arith.constant 0 : i32
            %lt3A_294 = arith.cmpi slt, %rem3A_290, %lt3A_293 : i32
            %lt3A_295 = arith.constant 0 : i32
            %lt3A_296 = arith.cmpi slt, %select_n3A_289, %lt3A_295 : i32
            %ne3A_297 = arith.xori %lt3A_294, %lt3A_296 : i1
            %and3A_298 = arith.andi %ne3A_297, %ne3A_292 : i1
            %add3A_299 = arith.addi %rem3A_290, %select_n3A_289 : i32
            %select_n3A_300 = arith.select %and3A_298, %add3A_299, %rem3A_290 : i32
            %mul3A_301 = arith.constant 16 : i32
            %mul3A_302 = arith.muli %select_n3A_300, %mul3A_301 : i32
            %get3A_303 = arith.index_cast %select_n3A_284 : i32 to index
            %get3A_304 = arith.index_cast %mul3A_302 : i32 to index
            %get3A_305 = tpu.vector_load %arg7[%get3A_303, %get3A_304] {strides = array<i32>} : memref<8x128xi32, #tpu.memory_space<vmem>>, vector<16xi32>,
            %lt3A_306 = arith.constant 0 : i32
            %lt3A_307 = vector.broadcast %lt3A_306 : i32 to vector<16xi32>
            %lt3A_308 = arith.cmpi slt, %get3A_305, %lt3A_307 : vector<16xi32>
            %add3A_309 = arith.constant 16 : i32
            %add3A_310 = vector.broadcast %add3A_309 : i32 to vector<16xi32>
            %add3A_311 = arith.addi %get3A_305, %add3A_310 : vector<16xi32>
            %select_n3A_312 = arith.select %lt3A_308, %add3A_311, %get3A_305 : vector<16xi1>, vector<16xi32>
            %broadcast_in_dim3A = vector.shape_cast %select_n3A_312 : vector<16xi32> to vector<16x1xi32>
            %gather3A = vector.shape_cast %broadcast_in_dim3A : vector<16x1xi32> to vector<16xi32>
            %gather3A_313 = tpu.dynamic_gather %get3A_25[%gather3A] in [0] : vector<16xf32>, vector<16xi32> -> vector<16xf32>
            %mul3A_314 = arith.constant 16 : i32
            %mul3A_315 = arith.muli %scan3A_260, %mul3A_314 : i32
            %swap3A = arith.constant 0 : i32
            %swap3A_316 = arith.index_cast %swap3A : i32 to index
            %swap3A_317 = arith.index_cast %mul3A_315 : i32 to index
            %swap3A_318 = tpu.vector_load %arg9[%swap3A_316, %swap3A_317] {strides = array<i32>} : memref<32x1024xf32, #tpu.memory_space<vmem>>, vector<16xf32>,
            tpu.vector_store %arg9[%swap3A_316, %swap3A_317], %gather3A_313 {strides = array<i32>} : memref<32x1024xf32, #tpu.memory_space<vmem>>, vector<16xf32>,
            %lt3A_319 = arith.constant 0 : i32
            %lt3A_320 = vector.broadcast %lt3A_319 : i32 to vector<16xi32>
            %lt3A_321 = arith.cmpi slt, %get3A_305, %lt3A_320 : vector<16xi32>
            %add3A_322 = arith.constant 16 : i32
            %add3A_323 = vector.broadcast %add3A_322 : i32 to vector<16xi32>
            %add3A_324 = arith.addi %get3A_305, %add3A_323 : vector<16xi32>
            %select_n3A_325 = arith.select %lt3A_321, %add3A_324, %get3A_305 : vector<16xi1>, vector<16xi32>
            %broadcast_in_dim3A_326 = vector.shape_cast %select_n3A_325 : vector<16xi32> to vector<16x1xi32>
            %gather3A_327 = vector.shape_cast %broadcast_in_dim3A_326 : vector<16x1xi32> to vector<16xi32>
            %gather3A_328 = tpu.dynamic_gather %get3A_29[%gather3A_327] in [0] : vector<16xf32>, vector<16xi32> -> vector<16xf32>
            %mul3A_329 = arith.constant 16 : i32
            %mul3A_330 = arith.muli %scan3A_260, %mul3A_329 : i32
            %swap3A_331 = arith.constant 1 : i32
            %swap3A_332 = arith.index_cast %swap3A_331 : i32 to index
            %swap3A_333 = arith.index_cast %mul3A_330 : i32 to index
            %swap3A_334 = tpu.vector_load %arg9[%swap3A_332, %swap3A_333] {strides = array<i32>} : memref<32x1024xf32, #tpu.memory_space<vmem>>, vector<16xf32>,
            tpu.vector_store %arg9[%swap3A_332, %swap3A_333], %gather3A_328 {strides = array<i32>} : memref<32x1024xf32, #tpu.memory_space<vmem>>, vector<16xf32>,
            %lt3A_335 = arith.constant 0 : i32
            %lt3A_336 = vector.broadcast %lt3A_335 : i32 to vector<16xi32>
            %lt3A_337 = arith.cmpi slt, %get3A_305, %lt3A_336 : vector<16xi32>
            %add3A_338 = arith.constant 16 : i32
            %add3A_339 = vector.broadcast %add3A_338 : i32 to vector<16xi32>
            %add3A_340 = arith.addi %get3A_305, %add3A_339 : vector<16xi32>
            %select_n3A_341 = arith.select %lt3A_337, %add3A_340, %get3A_305 : vector<16xi1>, vector<16xi32>
            %broadcast_in_dim3A_342 = vector.shape_cast %select_n3A_341 : vector<16xi32> to vector<16x1xi32>
            %gather3A_343 = vector.shape_cast %broadcast_in_dim3A_342 : vector<16x1xi32> to vector<16xi32>
            %gather3A_344 = tpu.dynamic_gather %get3A_33[%gather3A_343] in [0] : vector<16xf32>, vector<16xi32> -> vector<16xf32>
            %mul3A_345 = arith.constant 16 : i32
            %mul3A_346 = arith.muli %scan3A_260, %mul3A_345 : i32
            %swap3A_347 = arith.constant 2 : i32
            %swap3A_348 = arith.index_cast %swap3A_347 : i32 to index
            %swap3A_349 = arith.index_cast %mul3A_346 : i32 to index
            %swap3A_350 = tpu.vector_load %arg9[%swap3A_348, %swap3A_349] {strides = array<i32>} : memref<32x1024xf32, #tpu.memory_space<vmem>>, vector<16xf32>,
            tpu.vector_store %arg9[%swap3A_348, %swap3A_349], %gather3A_344 {strides = array<i32>} : memref<32x1024xf32, #tpu.memory_space<vmem>>, vector<16xf32>,
            %lt3A_351 = arith.constant 0 : i32
            %lt3A_352 = vector.broadcast %lt3A_351 : i32 to vector<16xi32>
            %lt3A_353 = arith.cmpi slt, %get3A_305, %lt3A_352 : vector<16xi32>
            %add3A_354 = arith.constant 16 : i32
            %add3A_355 = vector.broadcast %add3A_354 : i32 to vector<16xi32>
            %add3A_356 = arith.addi %get3A_305, %add3A_355 : vector<16xi32>
            %select_n3A_357 = arith.select %lt3A_353, %add3A_356, %get3A_305 : vector<16xi1>, vector<16xi32>
            %broadcast_in_dim3A_358 = vector.shape_cast %select_n3A_357 : vector<16xi32> to vector<16x1xi32>
            %gather3A_359 = vector.shape_cast %broadcast_in_dim3A_358 : vector<16x1xi32> to vector<16xi32>
            %gather3A_360 = tpu.dynamic_gather %get3A_37[%gather3A_359] in [0] : vector<16xf32>, vector<16xi32> -> vector<16xf32>
            %mul3A_361 = arith.constant 16 : i32
            %mul3A_362 = arith.muli %scan3A_260, %mul3A_361 : i32
            %swap3A_363 = arith.constant 3 : i32
            %swap3A_364 = arith.index_cast %swap3A_363 : i32 to index
            %swap3A_365 = arith.index_cast %mul3A_362 : i32 to index
            %swap3A_366 = tpu.vector_load %arg9[%swap3A_364, %swap3A_365] {strides = array<i32>} : memref<32x1024xf32, #tpu.memory_space<vmem>>, vector<16xf32>,
            tpu.vector_store %arg9[%swap3A_364, %swap3A_365], %gather3A_360 {strides = array<i32>} : memref<32x1024xf32, #tpu.memory_space<vmem>>, vector<16xf32>,
            %lt3A_367 = arith.constant 0 : i32
            %lt3A_368 = vector.broadcast %lt3A_367 : i32 to vector<16xi32>
            %lt3A_369 = arith.cmpi slt, %get3A_305, %lt3A_368 : vector<16xi32>
            %add3A_370 = arith.constant 16 : i32
            %add3A_371 = vector.broadcast %add3A_370 : i32 to vector<16xi32>
            %add3A_372 = arith.addi %get3A_305, %add3A_371 : vector<16xi32>
            %select_n3A_373 = arith.select %lt3A_369, %add3A_372, %get3A_305 : vector<16xi1>, vector<16xi32>
            %broadcast_in_dim3A_374 = vector.shape_cast %select_n3A_373 : vector<16xi32> to vector<16x1xi32>
            %gather3A_375 = vector.shape_cast %broadcast_in_dim3A_374 : vector<16x1xi32> to vector<16xi32>
            %gather3A_376 = tpu.dynamic_gather %get3A_41[%gather3A_375] in [0] : vector<16xf32>, vector<16xi32> -> vector<16xf32>
            %mul3A_377 = arith.constant 16 : i32
            %mul3A_378 = arith.muli %scan3A_260, %mul3A_377 : i32
            %swap3A_379 = arith.constant 4 : i32
            %swap3A_380 = arith.index_cast %swap3A_379 : i32 to index
            %swap3A_381 = arith.index_cast %mul3A_378 : i32 to index
            %swap3A_382 = tpu.vector_load %arg9[%swap3A_380, %swap3A_381] {strides = array<i32>} : memref<32x1024xf32, #tpu.memory_space<vmem>>, vector<16xf32>,
            tpu.vector_store %arg9[%swap3A_380, %swap3A_381], %gather3A_376 {strides = array<i32>} : memref<32x1024xf32, #tpu.memory_space<vmem>>, vector<16xf32>,
            %lt3A_383 = arith.constant 0 : i32
            %lt3A_384 = vector.broadcast %lt3A_383 : i32 to vector<16xi32>
            %lt3A_385 = arith.cmpi slt, %get3A_305, %lt3A_384 : vector<16xi32>
            %add3A_386 = arith.constant 16 : i32
            %add3A_387 = vector.broadcast %add3A_386 : i32 to vector<16xi32>
            %add3A_388 = arith.addi %get3A_305, %add3A_387 : vector<16xi32>
            %select_n3A_389 = arith.select %lt3A_385, %add3A_388, %get3A_305 : vector<16xi1>, vector<16xi32>
            %broadcast_in_dim3A_390 = vector.shape_cast %select_n3A_389 : vector<16xi32> to vector<16x1xi32>
            %gather3A_391 = vector.shape_cast %broadcast_in_dim3A_390 : vector<16x1xi32> to vector<16xi32>
            %gather3A_392 = tpu.dynamic_gather %get3A_45[%gather3A_391] in [0] : vector<16xf32>, vector<16xi32> -> vector<16xf32>
            %mul3A_393 = arith.constant 16 : i32
            %mul3A_394 = arith.muli %scan3A_260, %mul3A_393 : i32
            %swap3A_395 = arith.constant 5 : i32
            %swap3A_396 = arith.index_cast %swap3A_395 : i32 to index
            %swap3A_397 = arith.index_cast %mul3A_394 : i32 to index
            %swap3A_398 = tpu.vector_load %arg9[%swap3A_396, %swap3A_397] {strides = array<i32>} : memref<32x1024xf32, #tpu.memory_space<vmem>>, vector<16xf32>,
            tpu.vector_store %arg9[%swap3A_396, %swap3A_397], %gather3A_392 {strides = array<i32>} : memref<32x1024xf32, #tpu.memory_space<vmem>>, vector<16xf32>,
            %lt3A_399 = arith.constant 0 : i32
            %lt3A_400 = vector.broadcast %lt3A_399 : i32 to vector<16xi32>
            %lt3A_401 = arith.cmpi slt, %get3A_305, %lt3A_400 : vector<16xi32>
            %add3A_402 = arith.constant 16 : i32
            %add3A_403 = vector.broadcast %add3A_402 : i32 to vector<16xi32>
            %add3A_404 = arith.addi %get3A_305, %add3A_403 : vector<16xi32>
            %select_n3A_405 = arith.select %lt3A_401, %add3A_404, %get3A_305 : vector<16xi1>, vector<16xi32>
            %broadcast_in_dim3A_406 = vector.shape_cast %select_n3A_405 : vector<16xi32> to vector<16x1xi32>
            %gather3A_407 = vector.shape_cast %broadcast_in_dim3A_406 : vector<16x1xi32> to vector<16xi32>
            %gather3A_408 = tpu.dynamic_gather %get3A_49[%gather3A_407] in [0] : vector<16xf32>, vector<16xi32> -> vector<16xf32>
            %mul3A_409 = arith.constant 16 : i32
            %mul3A_410 = arith.muli %scan3A_260, %mul3A_409 : i32
            %swap3A_411 = arith.constant 6 : i32
            %swap3A_412 = arith.index_cast %swap3A_411 : i32 to index
            %swap3A_413 = arith.index_cast %mul3A_410 : i32 to index
            %swap3A_414 = tpu.vector_load %arg9[%swap3A_412, %swap3A_413] {strides = array<i32>} : memref<32x1024xf32, #tpu.memory_space<vmem>>, vector<16xf32>,
            tpu.vector_store %arg9[%swap3A_412, %swap3A_413], %gather3A_408 {strides = array<i32>} : memref<32x1024xf32, #tpu.memory_space<vmem>>, vector<16xf32>,
            %lt3A_415 = arith.constant 0 : i32
            %lt3A_416 = vector.broadcast %lt3A_415 : i32 to vector<16xi32>
            %lt3A_417 = arith.cmpi slt, %get3A_305, %lt3A_416 : vector<16xi32>
            %add3A_418 = arith.constant 16 : i32
            %add3A_419 = vector.broadcast %add3A_418 : i32 to vector<16xi32>
            %add3A_420 = arith.addi %get3A_305, %add3A_419 : vector<16xi32>
            %select_n3A_421 = arith.select %lt3A_417, %add3A_420, %get3A_305 : vector<16xi1>, vector<16xi32>
            %broadcast_in_dim3A_422 = vector.shape_cast %select_n3A_421 : vector<16xi32> to vector<16x1xi32>
            %gather3A_423 = vector.shape_cast %broadcast_in_dim3A_422 : vector<16x1xi32> to vector<16xi32>
            %gather3A_424 = tpu.dynamic_gather %get3A_53[%gather3A_423] in [0] : vector<16xf32>, vector<16xi32> -> vector<16xf32>
            %mul3A_425 = arith.constant 16 : i32
            %mul3A_426 = arith.muli %scan3A_260, %mul3A_425 : i32
            %swap3A_427 = arith.constant 7 : i32
            %swap3A_428 = arith.index_cast %swap3A_427 : i32 to index
            %swap3A_429 = arith.index_cast %mul3A_426 : i32 to index
            %swap3A_430 = tpu.vector_load %arg9[%swap3A_428, %swap3A_429] {strides = array<i32>} : memref<32x1024xf32, #tpu.memory_space<vmem>>, vector<16xf32>,
            tpu.vector_store %arg9[%swap3A_428, %swap3A_429], %gather3A_424 {strides = array<i32>} : memref<32x1024xf32, #tpu.memory_space<vmem>>, vector<16xf32>,
            %lt3A_431 = arith.constant 0 : i32
            %lt3A_432 = vector.broadcast %lt3A_431 : i32 to vector<16xi32>
            %lt3A_433 = arith.cmpi slt, %get3A_305, %lt3A_432 : vector<16xi32>
            %add3A_434 = arith.constant 16 : i32
            %add3A_435 = vector.broadcast %add3A_434 : i32 to vector<16xi32>
            %add3A_436 = arith.addi %get3A_305, %add3A_435 : vector<16xi32>
            %select_n3A_437 = arith.select %lt3A_433, %add3A_436, %get3A_305 : vector<16xi1>, vector<16xi32>
            %broadcast_in_dim3A_438 = vector.shape_cast %select_n3A_437 : vector<16xi32> to vector<16x1xi32>
            %gather3A_439 = vector.shape_cast %broadcast_in_dim3A_438 : vector<16x1xi32> to vector<16xi32>
            %gather3A_440 = tpu.dynamic_gather %get3A_57[%gather3A_439] in [0] : vector<16xf32>, vector<16xi32> -> vector<16xf32>
            %mul3A_441 = arith.constant 16 : i32
            %mul3A_442 = arith.muli %scan3A_260, %mul3A_441 : i32
            %swap3A_443 = arith.constant 8 : i32
            %swap3A_444 = arith.index_cast %swap3A_443 : i32 to index
            %swap3A_445 = arith.index_cast %mul3A_442 : i32 to index
            %swap3A_446 = tpu.vector_load %arg9[%swap3A_444, %swap3A_445] {strides = array<i32>} : memref<32x1024xf32, #tpu.memory_space<vmem>>, vector<16xf32>,
            tpu.vector_store %arg9[%swap3A_444, %swap3A_445], %gather3A_440 {strides = array<i32>} : memref<32x1024xf32, #tpu.memory_space<vmem>>, vector<16xf32>,
            %lt3A_447 = arith.constant 0 : i32
            %lt3A_448 = vector.broadcast %lt3A_447 : i32 to vector<16xi32>
            %lt3A_449 = arith.cmpi slt, %get3A_305, %lt3A_448 : vector<16xi32>
            %add3A_450 = arith.constant 16 : i32
            %add3A_451 = vector.broadcast %add3A_450 : i32 to vector<16xi32>
            %add3A_452 = arith.addi %get3A_305, %add3A_451 : vector<16xi32>
            %select_n3A_453 = arith.select %lt3A_449, %add3A_452, %get3A_305 : vector<16xi1>, vector<16xi32>
            %broadcast_in_dim3A_454 = vector.shape_cast %select_n3A_453 : vector<16xi32> to vector<16x1xi32>
            %gather3A_455 = vector.shape_cast %broadcast_in_dim3A_454 : vector<16x1xi32> to vector<16xi32>
            %gather3A_456 = tpu.dynamic_gather %get3A_61[%gather3A_455] in [0] : vector<16xf32>, vector<16xi32> -> vector<16xf32>
            %mul3A_457 = arith.constant 16 : i32
            %mul3A_458 = arith.muli %scan3A_260, %mul3A_457 : i32
            %swap3A_459 = arith.constant 9 : i32
            %swap3A_460 = arith.index_cast %swap3A_459 : i32 to index
            %swap3A_461 = arith.index_cast %mul3A_458 : i32 to index
            %swap3A_462 = tpu.vector_load %arg9[%swap3A_460, %swap3A_461] {strides = array<i32>} : memref<32x1024xf32, #tpu.memory_space<vmem>>, vector<16xf32>,
            tpu.vector_store %arg9[%swap3A_460, %swap3A_461], %gather3A_456 {strides = array<i32>} : memref<32x1024xf32, #tpu.memory_space<vmem>>, vector<16xf32>,
            %lt3A_463 = arith.constant 0 : i32
            %lt3A_464 = vector.broadcast %lt3A_463 : i32 to vector<16xi32>
            %lt3A_465 = arith.cmpi slt, %get3A_305, %lt3A_464 : vector<16xi32>
            %add3A_466 = arith.constant 16 : i32
            %add3A_467 = vector.broadcast %add3A_466 : i32 to vector<16xi32>
            %add3A_468 = arith.addi %get3A_305, %add3A_467 : vector<16xi32>
            %select_n3A_469 = arith.select %lt3A_465, %add3A_468, %get3A_305 : vector<16xi1>, vector<16xi32>
            %broadcast_in_dim3A_470 = vector.shape_cast %select_n3A_469 : vector<16xi32> to vector<16x1xi32>
            %gather3A_471 = vector.shape_cast %broadcast_in_dim3A_470 : vector<16x1xi32> to vector<16xi32>
            %gather3A_472 = tpu.dynamic_gather %get3A_65[%gather3A_471] in [0] : vector<16xf32>, vector<16xi32> -> vector<16xf32>
            %mul3A_473 = arith.constant 16 : i32
            %mul3A_474 = arith.muli %scan3A_260, %mul3A_473 : i32
            %swap3A_475 = arith.constant 10 : i32
            %swap3A_476 = arith.index_cast %swap3A_475 : i32 to index
            %swap3A_477 = arith.index_cast %mul3A_474 : i32 to index
            %swap3A_478 = tpu.vector_load %arg9[%swap3A_476, %swap3A_477] {strides = array<i32>} : memref<32x1024xf32, #tpu.memory_space<vmem>>, vector<16xf32>,
            tpu.vector_store %arg9[%swap3A_476, %swap3A_477], %gather3A_472 {strides = array<i32>} : memref<32x1024xf32, #tpu.memory_space<vmem>>, vector<16xf32>,
            %lt3A_479 = arith.constant 0 : i32
            %lt3A_480 = vector.broadcast %lt3A_479 : i32 to vector<16xi32>
            %lt3A_481 = arith.cmpi slt, %get3A_305, %lt3A_480 : vector<16xi32>
            %add3A_482 = arith.constant 16 : i32
            %add3A_483 = vector.broadcast %add3A_482 : i32 to vector<16xi32>
            %add3A_484 = arith.addi %get3A_305, %add3A_483 : vector<16xi32>
            %select_n3A_485 = arith.select %lt3A_481, %add3A_484, %get3A_305 : vector<16xi1>, vector<16xi32>
            %broadcast_in_dim3A_486 = vector.shape_cast %select_n3A_485 : vector<16xi32> to vector<16x1xi32>
            %gather3A_487 = vector.shape_cast %broadcast_in_dim3A_486 : vector<16x1xi32> to vector<16xi32>
            %gather3A_488 = tpu.dynamic_gather %get3A_69[%gather3A_487] in [0] : vector<16xf32>, vector<16xi32> -> vector<16xf32>
            %mul3A_489 = arith.constant 16 : i32
            %mul3A_490 = arith.muli %scan3A_260, %mul3A_489 : i32
            %swap3A_491 = arith.constant 11 : i32
            %swap3A_492 = arith.index_cast %swap3A_491 : i32 to index
            %swap3A_493 = arith.index_cast %mul3A_490 : i32 to index
            %swap3A_494 = tpu.vector_load %arg9[%swap3A_492, %swap3A_493] {strides = array<i32>} : memref<32x1024xf32, #tpu.memory_space<vmem>>, vector<16xf32>,
            tpu.vector_store %arg9[%swap3A_492, %swap3A_493], %gather3A_488 {strides = array<i32>} : memref<32x1024xf32, #tpu.memory_space<vmem>>, vector<16xf32>,
            %lt3A_495 = arith.constant 0 : i32
            %lt3A_496 = vector.broadcast %lt3A_495 : i32 to vector<16xi32>
            %lt3A_497 = arith.cmpi slt, %get3A_305, %lt3A_496 : vector<16xi32>
            %add3A_498 = arith.constant 16 : i32
            %add3A_499 = vector.broadcast %add3A_498 : i32 to vector<16xi32>
            %add3A_500 = arith.addi %get3A_305, %add3A_499 : vector<16xi32>
            %select_n3A_501 = arith.select %lt3A_497, %add3A_500, %get3A_305 : vector<16xi1>, vector<16xi32>
            %broadcast_in_dim3A_502 = vector.shape_cast %select_n3A_501 : vector<16xi32> to vector<16x1xi32>
            %gather3A_503 = vector.shape_cast %broadcast_in_dim3A_502 : vector<16x1xi32> to vector<16xi32>
            %gather3A_504 = tpu.dynamic_gather %get3A_73[%gather3A_503] in [0] : vector<16xf32>, vector<16xi32> -> vector<16xf32>
            %mul3A_505 = arith.constant 16 : i32
            %mul3A_506 = arith.muli %scan3A_260, %mul3A_505 : i32
            %swap3A_507 = arith.constant 12 : i32
            %swap3A_508 = arith.index_cast %swap3A_507 : i32 to index
            %swap3A_509 = arith.index_cast %mul3A_506 : i32 to index
            %swap3A_510 = tpu.vector_load %arg9[%swap3A_508, %swap3A_509] {strides = array<i32>} : memref<32x1024xf32, #tpu.memory_space<vmem>>, vector<16xf32>,
            tpu.vector_store %arg9[%swap3A_508, %swap3A_509], %gather3A_504 {strides = array<i32>} : memref<32x1024xf32, #tpu.memory_space<vmem>>, vector<16xf32>,
            %lt3A_511 = arith.constant 0 : i32
            %lt3A_512 = vector.broadcast %lt3A_511 : i32 to vector<16xi32>
            %lt3A_513 = arith.cmpi slt, %get3A_305, %lt3A_512 : vector<16xi32>
            %add3A_514 = arith.constant 16 : i32
            %add3A_515 = vector.broadcast %add3A_514 : i32 to vector<16xi32>
            %add3A_516 = arith.addi %get3A_305, %add3A_515 : vector<16xi32>
            %select_n3A_517 = arith.select %lt3A_513, %add3A_516, %get3A_305 : vector<16xi1>, vector<16xi32>
            %broadcast_in_dim3A_518 = vector.shape_cast %select_n3A_517 : vector<16xi32> to vector<16x1xi32>
            %gather3A_519 = vector.shape_cast %broadcast_in_dim3A_518 : vector<16x1xi32> to vector<16xi32>
            %gather3A_520 = tpu.dynamic_gather %get3A_77[%gather3A_519] in [0] : vector<16xf32>, vector<16xi32> -> vector<16xf32>
            %mul3A_521 = arith.constant 16 : i32
            %mul3A_522 = arith.muli %scan3A_260, %mul3A_521 : i32
            %swap3A_523 = arith.constant 13 : i32
            %swap3A_524 = arith.index_cast %swap3A_523 : i32 to index
            %swap3A_525 = arith.index_cast %mul3A_522 : i32 to index
            %swap3A_526 = tpu.vector_load %arg9[%swap3A_524, %swap3A_525] {strides = array<i32>} : memref<32x1024xf32, #tpu.memory_space<vmem>>, vector<16xf32>,
            tpu.vector_store %arg9[%swap3A_524, %swap3A_525], %gather3A_520 {strides = array<i32>} : memref<32x1024xf32, #tpu.memory_space<vmem>>, vector<16xf32>,
            %lt3A_527 = arith.constant 0 : i32
            %lt3A_528 = vector.broadcast %lt3A_527 : i32 to vector<16xi32>
            %lt3A_529 = arith.cmpi slt, %get3A_305, %lt3A_528 : vector<16xi32>
            %add3A_530 = arith.constant 16 : i32
            %add3A_531 = vector.broadcast %add3A_530 : i32 to vector<16xi32>
            %add3A_532 = arith.addi %get3A_305, %add3A_531 : vector<16xi32>
            %select_n3A_533 = arith.select %lt3A_529, %add3A_532, %get3A_305 : vector<16xi1>, vector<16xi32>
            %broadcast_in_dim3A_534 = vector.shape_cast %select_n3A_533 : vector<16xi32> to vector<16x1xi32>
            %gather3A_535 = vector.shape_cast %broadcast_in_dim3A_534 : vector<16x1xi32> to vector<16xi32>
            %gather3A_536 = tpu.dynamic_gather %get3A_81[%gather3A_535] in [0] : vector<16xf32>, vector<16xi32> -> vector<16xf32>
            %mul3A_537 = arith.constant 16 : i32
            %mul3A_538 = arith.muli %scan3A_260, %mul3A_537 : i32
            %swap3A_539 = arith.constant 14 : i32
            %swap3A_540 = arith.index_cast %swap3A_539 : i32 to index
            %swap3A_541 = arith.index_cast %mul3A_538 : i32 to index
            %swap3A_542 = tpu.vector_load %arg9[%swap3A_540, %swap3A_541] {strides = array<i32>} : memref<32x1024xf32, #tpu.memory_space<vmem>>, vector<16xf32>,
            tpu.vector_store %arg9[%swap3A_540, %swap3A_541], %gather3A_536 {strides = array<i32>} : memref<32x1024xf32, #tpu.memory_space<vmem>>, vector<16xf32>,
            %lt3A_543 = arith.constant 0 : i32
            %lt3A_544 = vector.broadcast %lt3A_543 : i32 to vector<16xi32>
            %lt3A_545 = arith.cmpi slt, %get3A_305, %lt3A_544 : vector<16xi32>
            %add3A_546 = arith.constant 16 : i32
            %add3A_547 = vector.broadcast %add3A_546 : i32 to vector<16xi32>
            %add3A_548 = arith.addi %get3A_305, %add3A_547 : vector<16xi32>
            %select_n3A_549 = arith.select %lt3A_545, %add3A_548, %get3A_305 : vector<16xi1>, vector<16xi32>
            %broadcast_in_dim3A_550 = vector.shape_cast %select_n3A_549 : vector<16xi32> to vector<16x1xi32>
            %gather3A_551 = vector.shape_cast %broadcast_in_dim3A_550 : vector<16x1xi32> to vector<16xi32>
            %gather3A_552 = tpu.dynamic_gather %get3A_85[%gather3A_551] in [0] : vector<16xf32>, vector<16xi32> -> vector<16xf32>
            %mul3A_553 = arith.constant 16 : i32
            %mul3A_554 = arith.muli %scan3A_260, %mul3A_553 : i32
            %swap3A_555 = arith.constant 15 : i32
            %swap3A_556 = arith.index_cast %swap3A_555 : i32 to index
            %swap3A_557 = arith.index_cast %mul3A_554 : i32 to index
            %swap3A_558 = tpu.vector_load %arg9[%swap3A_556, %swap3A_557] {strides = array<i32>} : memref<32x1024xf32, #tpu.memory_space<vmem>>, vector<16xf32>,
            tpu.vector_store %arg9[%swap3A_556, %swap3A_557], %gather3A_552 {strides = array<i32>} : memref<32x1024xf32, #tpu.memory_space<vmem>>, vector<16xf32>,
            %lt3A_559 = arith.constant 0 : i32
            %lt3A_560 = vector.broadcast %lt3A_559 : i32 to vector<16xi32>
            %lt3A_561 = arith.cmpi slt, %get3A_305, %lt3A_560 : vector<16xi32>
            %add3A_562 = arith.constant 16 : i32
            %add3A_563 = vector.broadcast %add3A_562 : i32 to vector<16xi32>
            %add3A_564 = arith.addi %get3A_305, %add3A_563 : vector<16xi32>
            %select_n3A_565 = arith.select %lt3A_561, %add3A_564, %get3A_305 : vector<16xi1>, vector<16xi32>
            %broadcast_in_dim3A_566 = vector.shape_cast %select_n3A_565 : vector<16xi32> to vector<16x1xi32>
            %gather3A_567 = vector.shape_cast %broadcast_in_dim3A_566 : vector<16x1xi32> to vector<16xi32>
            %gather3A_568 = tpu.dynamic_gather %get3A_89[%gather3A_567] in [0] : vector<16xf32>, vector<16xi32> -> vector<16xf32>
            %mul3A_569 = arith.constant 16 : i32
            %mul3A_570 = arith.muli %scan3A_260, %mul3A_569 : i32
            %swap3A_571 = arith.constant 16 : i32
            %swap3A_572 = arith.index_cast %swap3A_571 : i32 to index
            %swap3A_573 = arith.index_cast %mul3A_570 : i32 to index
            %swap3A_574 = tpu.vector_load %arg9[%swap3A_572, %swap3A_573] {strides = array<i32>} : memref<32x1024xf32, #tpu.memory_space<vmem>>, vector<16xf32>,
            tpu.vector_store %arg9[%swap3A_572, %swap3A_573], %gather3A_568 {strides = array<i32>} : memref<32x1024xf32, #tpu.memory_space<vmem>>, vector<16xf32>,
            %lt3A_575 = arith.constant 0 : i32
            %lt3A_576 = vector.broadcast %lt3A_575 : i32 to vector<16xi32>
            %lt3A_577 = arith.cmpi slt, %get3A_305, %lt3A_576 : vector<16xi32>
            %add3A_578 = arith.constant 16 : i32
            %add3A_579 = vector.broadcast %add3A_578 : i32 to vector<16xi32>
            %add3A_580 = arith.addi %get3A_305, %add3A_579 : vector<16xi32>
            %select_n3A_581 = arith.select %lt3A_577, %add3A_580, %get3A_305 : vector<16xi1>, vector<16xi32>
            %broadcast_in_dim3A_582 = vector.shape_cast %select_n3A_581 : vector<16xi32> to vector<16x1xi32>
            %gather3A_583 = vector.shape_cast %broadcast_in_dim3A_582 : vector<16x1xi32> to vector<16xi32>
            %gather3A_584 = tpu.dynamic_gather %get3A_93[%gather3A_583] in [0] : vector<16xf32>, vector<16xi32> -> vector<16xf32>
            %mul3A_585 = arith.constant 16 : i32
            %mul3A_586 = arith.muli %scan3A_260, %mul3A_585 : i32
            %swap3A_587 = arith.constant 17 : i32
            %swap3A_588 = arith.index_cast %swap3A_587 : i32 to index
            %swap3A_589 = arith.index_cast %mul3A_586 : i32 to index
            %swap3A_590 = tpu.vector_load %arg9[%swap3A_588, %swap3A_589] {strides = array<i32>} : memref<32x1024xf32, #tpu.memory_space<vmem>>, vector<16xf32>,
            tpu.vector_store %arg9[%swap3A_588, %swap3A_589], %gather3A_584 {strides = array<i32>} : memref<32x1024xf32, #tpu.memory_space<vmem>>, vector<16xf32>,
            %lt3A_591 = arith.constant 0 : i32
            %lt3A_592 = vector.broadcast %lt3A_591 : i32 to vector<16xi32>
            %lt3A_593 = arith.cmpi slt, %get3A_305, %lt3A_592 : vector<16xi32>
            %add3A_594 = arith.constant 16 : i32
            %add3A_595 = vector.broadcast %add3A_594 : i32 to vector<16xi32>
            %add3A_596 = arith.addi %get3A_305, %add3A_595 : vector<16xi32>
            %select_n3A_597 = arith.select %lt3A_593, %add3A_596, %get3A_305 : vector<16xi1>, vector<16xi32>
            %broadcast_in_dim3A_598 = vector.shape_cast %select_n3A_597 : vector<16xi32> to vector<16x1xi32>
            %gather3A_599 = vector.shape_cast %broadcast_in_dim3A_598 : vector<16x1xi32> to vector<16xi32>
            %gather3A_600 = tpu.dynamic_gather %get3A_97[%gather3A_599] in [0] : vector<16xf32>, vector<16xi32> -> vector<16xf32>
            %mul3A_601 = arith.constant 16 : i32
            %mul3A_602 = arith.muli %scan3A_260, %mul3A_601 : i32
            %swap3A_603 = arith.constant 18 : i32
            %swap3A_604 = arith.index_cast %swap3A_603 : i32 to index
            %swap3A_605 = arith.index_cast %mul3A_602 : i32 to index
            %swap3A_606 = tpu.vector_load %arg9[%swap3A_604, %swap3A_605] {strides = array<i32>} : memref<32x1024xf32, #tpu.memory_space<vmem>>, vector<16xf32>,
            tpu.vector_store %arg9[%swap3A_604, %swap3A_605], %gather3A_600 {strides = array<i32>} : memref<32x1024xf32, #tpu.memory_space<vmem>>, vector<16xf32>,
            %lt3A_607 = arith.constant 0 : i32
            %lt3A_608 = vector.broadcast %lt3A_607 : i32 to vector<16xi32>
            %lt3A_609 = arith.cmpi slt, %get3A_305, %lt3A_608 : vector<16xi32>
            %add3A_610 = arith.constant 16 : i32
            %add3A_611 = vector.broadcast %add3A_610 : i32 to vector<16xi32>
            %add3A_612 = arith.addi %get3A_305, %add3A_611 : vector<16xi32>
            %select_n3A_613 = arith.select %lt3A_609, %add3A_612, %get3A_305 : vector<16xi1>, vector<16xi32>
            %broadcast_in_dim3A_614 = vector.shape_cast %select_n3A_613 : vector<16xi32> to vector<16x1xi32>
            %gather3A_615 = vector.shape_cast %broadcast_in_dim3A_614 : vector<16x1xi32> to vector<16xi32>
            %gather3A_616 = tpu.dynamic_gather %get3A_101[%gather3A_615] in [0] : vector<16xf32>, vector<16xi32> -> vector<16xf32>
            %mul3A_617 = arith.constant 16 : i32
            %mul3A_618 = arith.muli %scan3A_260, %mul3A_617 : i32
            %swap3A_619 = arith.constant 19 : i32
            %swap3A_620 = arith.index_cast %swap3A_619 : i32 to index
            %swap3A_621 = arith.index_cast %mul3A_618 : i32 to index
            %swap3A_622 = tpu.vector_load %arg9[%swap3A_620, %swap3A_621] {strides = array<i32>} : memref<32x1024xf32, #tpu.memory_space<vmem>>, vector<16xf32>,
            tpu.vector_store %arg9[%swap3A_620, %swap3A_621], %gather3A_616 {strides = array<i32>} : memref<32x1024xf32, #tpu.memory_space<vmem>>, vector<16xf32>,
            %lt3A_623 = arith.constant 0 : i32
            %lt3A_624 = vector.broadcast %lt3A_623 : i32 to vector<16xi32>
            %lt3A_625 = arith.cmpi slt, %get3A_305, %lt3A_624 : vector<16xi32>
            %add3A_626 = arith.constant 16 : i32
            %add3A_627 = vector.broadcast %add3A_626 : i32 to vector<16xi32>
            %add3A_628 = arith.addi %get3A_305, %add3A_627 : vector<16xi32>
            %select_n3A_629 = arith.select %lt3A_625, %add3A_628, %get3A_305 : vector<16xi1>, vector<16xi32>
            %broadcast_in_dim3A_630 = vector.shape_cast %select_n3A_629 : vector<16xi32> to vector<16x1xi32>
            %gather3A_631 = vector.shape_cast %broadcast_in_dim3A_630 : vector<16x1xi32> to vector<16xi32>
            %gather3A_632 = tpu.dynamic_gather %get3A_105[%gather3A_631] in [0] : vector<16xf32>, vector<16xi32> -> vector<16xf32>
            %mul3A_633 = arith.constant 16 : i32
            %mul3A_634 = arith.muli %scan3A_260, %mul3A_633 : i32
            %swap3A_635 = arith.constant 20 : i32
            %swap3A_636 = arith.index_cast %swap3A_635 : i32 to index
            %swap3A_637 = arith.index_cast %mul3A_634 : i32 to index
            %swap3A_638 = tpu.vector_load %arg9[%swap3A_636, %swap3A_637] {strides = array<i32>} : memref<32x1024xf32, #tpu.memory_space<vmem>>, vector<16xf32>,
            tpu.vector_store %arg9[%swap3A_636, %swap3A_637], %gather3A_632 {strides = array<i32>} : memref<32x1024xf32, #tpu.memory_space<vmem>>, vector<16xf32>,
            %lt3A_639 = arith.constant 0 : i32
            %lt3A_640 = vector.broadcast %lt3A_639 : i32 to vector<16xi32>
            %lt3A_641 = arith.cmpi slt, %get3A_305, %lt3A_640 : vector<16xi32>
            %add3A_642 = arith.constant 16 : i32
            %add3A_643 = vector.broadcast %add3A_642 : i32 to vector<16xi32>
            %add3A_644 = arith.addi %get3A_305, %add3A_643 : vector<16xi32>
            %select_n3A_645 = arith.select %lt3A_641, %add3A_644, %get3A_305 : vector<16xi1>, vector<16xi32>
            %broadcast_in_dim3A_646 = vector.shape_cast %select_n3A_645 : vector<16xi32> to vector<16x1xi32>
            %gather3A_647 = vector.shape_cast %broadcast_in_dim3A_646 : vector<16x1xi32> to vector<16xi32>
            %gather3A_648 = tpu.dynamic_gather %get3A_109[%gather3A_647] in [0] : vector<16xf32>, vector<16xi32> -> vector<16xf32>
            %mul3A_649 = arith.constant 16 : i32
            %mul3A_650 = arith.muli %scan3A_260, %mul3A_649 : i32
            %swap3A_651 = arith.constant 21 : i32
            %swap3A_652 = arith.index_cast %swap3A_651 : i32 to index
            %swap3A_653 = arith.index_cast %mul3A_650 : i32 to index
            %swap3A_654 = tpu.vector_load %arg9[%swap3A_652, %swap3A_653] {strides = array<i32>} : memref<32x1024xf32, #tpu.memory_space<vmem>>, vector<16xf32>,
            tpu.vector_store %arg9[%swap3A_652, %swap3A_653], %gather3A_648 {strides = array<i32>} : memref<32x1024xf32, #tpu.memory_space<vmem>>, vector<16xf32>,
            %lt3A_655 = arith.constant 0 : i32
            %lt3A_656 = vector.broadcast %lt3A_655 : i32 to vector<16xi32>
            %lt3A_657 = arith.cmpi slt, %get3A_305, %lt3A_656 : vector<16xi32>
            %add3A_658 = arith.constant 16 : i32
            %add3A_659 = vector.broadcast %add3A_658 : i32 to vector<16xi32>
            %add3A_660 = arith.addi %get3A_305, %add3A_659 : vector<16xi32>
            %select_n3A_661 = arith.select %lt3A_657, %add3A_660, %get3A_305 : vector<16xi1>, vector<16xi32>
            %broadcast_in_dim3A_662 = vector.shape_cast %select_n3A_661 : vector<16xi32> to vector<16x1xi32>
            %gather3A_663 = vector.shape_cast %broadcast_in_dim3A_662 : vector<16x1xi32> to vector<16xi32>
            %gather3A_664 = tpu.dynamic_gather %get3A_113[%gather3A_663] in [0] : vector<16xf32>, vector<16xi32> -> vector<16xf32>
            %mul3A_665 = arith.constant 16 : i32
            %mul3A_666 = arith.muli %scan3A_260, %mul3A_665 : i32
            %swap3A_667 = arith.constant 22 : i32
            %swap3A_668 = arith.index_cast %swap3A_667 : i32 to index
            %swap3A_669 = arith.index_cast %mul3A_666 : i32 to index
            %swap3A_670 = tpu.vector_load %arg9[%swap3A_668, %swap3A_669] {strides = array<i32>} : memref<32x1024xf32, #tpu.memory_space<vmem>>, vector<16xf32>,
            tpu.vector_store %arg9[%swap3A_668, %swap3A_669], %gather3A_664 {strides = array<i32>} : memref<32x1024xf32, #tpu.memory_space<vmem>>, vector<16xf32>,
            %lt3A_671 = arith.constant 0 : i32
            %lt3A_672 = vector.broadcast %lt3A_671 : i32 to vector<16xi32>
            %lt3A_673 = arith.cmpi slt, %get3A_305, %lt3A_672 : vector<16xi32>
            %add3A_674 = arith.constant 16 : i32
            %add3A_675 = vector.broadcast %add3A_674 : i32 to vector<16xi32>
            %add3A_676 = arith.addi %get3A_305, %add3A_675 : vector<16xi32>
            %select_n3A_677 = arith.select %lt3A_673, %add3A_676, %get3A_305 : vector<16xi1>, vector<16xi32>
            %broadcast_in_dim3A_678 = vector.shape_cast %select_n3A_677 : vector<16xi32> to vector<16x1xi32>
            %gather3A_679 = vector.shape_cast %broadcast_in_dim3A_678 : vector<16x1xi32> to vector<16xi32>
            %gather3A_680 = tpu.dynamic_gather %get3A_117[%gather3A_679] in [0] : vector<16xf32>, vector<16xi32> -> vector<16xf32>
            %mul3A_681 = arith.constant 16 : i32
            %mul3A_682 = arith.muli %scan3A_260, %mul3A_681 : i32
            %swap3A_683 = arith.constant 23 : i32
            %swap3A_684 = arith.index_cast %swap3A_683 : i32 to index
            %swap3A_685 = arith.index_cast %mul3A_682 : i32 to index
            %swap3A_686 = tpu.vector_load %arg9[%swap3A_684, %swap3A_685] {strides = array<i32>} : memref<32x1024xf32, #tpu.memory_space<vmem>>, vector<16xf32>,
            tpu.vector_store %arg9[%swap3A_684, %swap3A_685], %gather3A_680 {strides = array<i32>} : memref<32x1024xf32, #tpu.memory_space<vmem>>, vector<16xf32>,
            %lt3A_687 = arith.constant 0 : i32
            %lt3A_688 = vector.broadcast %lt3A_687 : i32 to vector<16xi32>
            %lt3A_689 = arith.cmpi slt, %get3A_305, %lt3A_688 : vector<16xi32>
            %add3A_690 = arith.constant 16 : i32
            %add3A_691 = vector.broadcast %add3A_690 : i32 to vector<16xi32>
            %add3A_692 = arith.addi %get3A_305, %add3A_691 : vector<16xi32>
            %select_n3A_693 = arith.select %lt3A_689, %add3A_692, %get3A_305 : vector<16xi1>, vector<16xi32>
            %broadcast_in_dim3A_694 = vector.shape_cast %select_n3A_693 : vector<16xi32> to vector<16x1xi32>
            %gather3A_695 = vector.shape_cast %broadcast_in_dim3A_694 : vector<16x1xi32> to vector<16xi32>
            %gather3A_696 = tpu.dynamic_gather %get3A_121[%gather3A_695] in [0] : vector<16xf32>, vector<16xi32> -> vector<16xf32>
            %mul3A_697 = arith.constant 16 : i32
            %mul3A_698 = arith.muli %scan3A_260, %mul3A_697 : i32
            %swap3A_699 = arith.constant 24 : i32
            %swap3A_700 = arith.index_cast %swap3A_699 : i32 to index
            %swap3A_701 = arith.index_cast %mul3A_698 : i32 to index
            %swap3A_702 = tpu.vector_load %arg9[%swap3A_700, %swap3A_701] {strides = array<i32>} : memref<32x1024xf32, #tpu.memory_space<vmem>>, vector<16xf32>,
            tpu.vector_store %arg9[%swap3A_700, %swap3A_701], %gather3A_696 {strides = array<i32>} : memref<32x1024xf32, #tpu.memory_space<vmem>>, vector<16xf32>,
            %lt3A_703 = arith.constant 0 : i32
            %lt3A_704 = vector.broadcast %lt3A_703 : i32 to vector<16xi32>
            %lt3A_705 = arith.cmpi slt, %get3A_305, %lt3A_704 : vector<16xi32>
            %add3A_706 = arith.constant 16 : i32
            %add3A_707 = vector.broadcast %add3A_706 : i32 to vector<16xi32>
            %add3A_708 = arith.addi %get3A_305, %add3A_707 : vector<16xi32>
            %select_n3A_709 = arith.select %lt3A_705, %add3A_708, %get3A_305 : vector<16xi1>, vector<16xi32>
            %broadcast_in_dim3A_710 = vector.shape_cast %select_n3A_709 : vector<16xi32> to vector<16x1xi32>
            %gather3A_711 = vector.shape_cast %broadcast_in_dim3A_710 : vector<16x1xi32> to vector<16xi32>
            %gather3A_712 = tpu.dynamic_gather %get3A_125[%gather3A_711] in [0] : vector<16xf32>, vector<16xi32> -> vector<16xf32>
            %mul3A_713 = arith.constant 16 : i32
            %mul3A_714 = arith.muli %scan3A_260, %mul3A_713 : i32
            %swap3A_715 = arith.constant 25 : i32
            %swap3A_716 = arith.index_cast %swap3A_715 : i32 to index
            %swap3A_717 = arith.index_cast %mul3A_714 : i32 to index
            %swap3A_718 = tpu.vector_load %arg9[%swap3A_716, %swap3A_717] {strides = array<i32>} : memref<32x1024xf32, #tpu.memory_space<vmem>>, vector<16xf32>,
            tpu.vector_store %arg9[%swap3A_716, %swap3A_717], %gather3A_712 {strides = array<i32>} : memref<32x1024xf32, #tpu.memory_space<vmem>>, vector<16xf32>,
            %lt3A_719 = arith.constant 0 : i32
            %lt3A_720 = vector.broadcast %lt3A_719 : i32 to vector<16xi32>
            %lt3A_721 = arith.cmpi slt, %get3A_305, %lt3A_720 : vector<16xi32>
            %add3A_722 = arith.constant 16 : i32
            %add3A_723 = vector.broadcast %add3A_722 : i32 to vector<16xi32>
            %add3A_724 = arith.addi %get3A_305, %add3A_723 : vector<16xi32>
            %select_n3A_725 = arith.select %lt3A_721, %add3A_724, %get3A_305 : vector<16xi1>, vector<16xi32>
            %broadcast_in_dim3A_726 = vector.shape_cast %select_n3A_725 : vector<16xi32> to vector<16x1xi32>
            %gather3A_727 = vector.shape_cast %broadcast_in_dim3A_726 : vector<16x1xi32> to vector<16xi32>
            %gather3A_728 = tpu.dynamic_gather %get3A_129[%gather3A_727] in [0] : vector<16xf32>, vector<16xi32> -> vector<16xf32>
            %mul3A_729 = arith.constant 16 : i32
            %mul3A_730 = arith.muli %scan3A_260, %mul3A_729 : i32
            %swap3A_731 = arith.constant 26 : i32
            %swap3A_732 = arith.index_cast %swap3A_731 : i32 to index
            %swap3A_733 = arith.index_cast %mul3A_730 : i32 to index
            %swap3A_734 = tpu.vector_load %arg9[%swap3A_732, %swap3A_733] {strides = array<i32>} : memref<32x1024xf32, #tpu.memory_space<vmem>>, vector<16xf32>,
            tpu.vector_store %arg9[%swap3A_732, %swap3A_733], %gather3A_728 {strides = array<i32>} : memref<32x1024xf32, #tpu.memory_space<vmem>>, vector<16xf32>,
            %lt3A_735 = arith.constant 0 : i32
            %lt3A_736 = vector.broadcast %lt3A_735 : i32 to vector<16xi32>
            %lt3A_737 = arith.cmpi slt, %get3A_305, %lt3A_736 : vector<16xi32>
            %add3A_738 = arith.constant 16 : i32
            %add3A_739 = vector.broadcast %add3A_738 : i32 to vector<16xi32>
            %add3A_740 = arith.addi %get3A_305, %add3A_739 : vector<16xi32>
            %select_n3A_741 = arith.select %lt3A_737, %add3A_740, %get3A_305 : vector<16xi1>, vector<16xi32>
            %broadcast_in_dim3A_742 = vector.shape_cast %select_n3A_741 : vector<16xi32> to vector<16x1xi32>
            %gather3A_743 = vector.shape_cast %broadcast_in_dim3A_742 : vector<16x1xi32> to vector<16xi32>
            %gather3A_744 = tpu.dynamic_gather %get3A_133[%gather3A_743] in [0] : vector<16xf32>, vector<16xi32> -> vector<16xf32>
            %mul3A_745 = arith.constant 16 : i32
            %mul3A_746 = arith.muli %scan3A_260, %mul3A_745 : i32
            %swap3A_747 = arith.constant 27 : i32
            %swap3A_748 = arith.index_cast %swap3A_747 : i32 to index
            %swap3A_749 = arith.index_cast %mul3A_746 : i32 to index
            %swap3A_750 = tpu.vector_load %arg9[%swap3A_748, %swap3A_749] {strides = array<i32>} : memref<32x1024xf32, #tpu.memory_space<vmem>>, vector<16xf32>,
            tpu.vector_store %arg9[%swap3A_748, %swap3A_749], %gather3A_744 {strides = array<i32>} : memref<32x1024xf32, #tpu.memory_space<vmem>>, vector<16xf32>,
            %lt3A_751 = arith.constant 0 : i32
            %lt3A_752 = vector.broadcast %lt3A_751 : i32 to vector<16xi32>
            %lt3A_753 = arith.cmpi slt, %get3A_305, %lt3A_752 : vector<16xi32>
            %add3A_754 = arith.constant 16 : i32
            %add3A_755 = vector.broadcast %add3A_754 : i32 to vector<16xi32>
            %add3A_756 = arith.addi %get3A_305, %add3A_755 : vector<16xi32>
            %select_n3A_757 = arith.select %lt3A_753, %add3A_756, %get3A_305 : vector<16xi1>, vector<16xi32>
            %broadcast_in_dim3A_758 = vector.shape_cast %select_n3A_757 : vector<16xi32> to vector<16x1xi32>
            %gather3A_759 = vector.shape_cast %broadcast_in_dim3A_758 : vector<16x1xi32> to vector<16xi32>
            %gather3A_760 = tpu.dynamic_gather %get3A_137[%gather3A_759] in [0] : vector<16xf32>, vector<16xi32> -> vector<16xf32>
            %mul3A_761 = arith.constant 16 : i32
            %mul3A_762 = arith.muli %scan3A_260, %mul3A_761 : i32
            %swap3A_763 = arith.constant 28 : i32
            %swap3A_764 = arith.index_cast %swap3A_763 : i32 to index
            %swap3A_765 = arith.index_cast %mul3A_762 : i32 to index
            %swap3A_766 = tpu.vector_load %arg9[%swap3A_764, %swap3A_765] {strides = array<i32>} : memref<32x1024xf32, #tpu.memory_space<vmem>>, vector<16xf32>,
            tpu.vector_store %arg9[%swap3A_764, %swap3A_765], %gather3A_760 {strides = array<i32>} : memref<32x1024xf32, #tpu.memory_space<vmem>>, vector<16xf32>,
            %lt3A_767 = arith.constant 0 : i32
            %lt3A_768 = vector.broadcast %lt3A_767 : i32 to vector<16xi32>
            %lt3A_769 = arith.cmpi slt, %get3A_305, %lt3A_768 : vector<16xi32>
            %add3A_770 = arith.constant 16 : i32
            %add3A_771 = vector.broadcast %add3A_770 : i32 to vector<16xi32>
            %add3A_772 = arith.addi %get3A_305, %add3A_771 : vector<16xi32>
            %select_n3A_773 = arith.select %lt3A_769, %add3A_772, %get3A_305 : vector<16xi1>, vector<16xi32>
            %broadcast_in_dim3A_774 = vector.shape_cast %select_n3A_773 : vector<16xi32> to vector<16x1xi32>
            %gather3A_775 = vector.shape_cast %broadcast_in_dim3A_774 : vector<16x1xi32> to vector<16xi32>
            %gather3A_776 = tpu.dynamic_gather %get3A_141[%gather3A_775] in [0] : vector<16xf32>, vector<16xi32> -> vector<16xf32>
            %mul3A_777 = arith.constant 16 : i32
            %mul3A_778 = arith.muli %scan3A_260, %mul3A_777 : i32
            %swap3A_779 = arith.constant 29 : i32
            %swap3A_780 = arith.index_cast %swap3A_779 : i32 to index
            %swap3A_781 = arith.index_cast %mul3A_778 : i32 to index
            %swap3A_782 = tpu.vector_load %arg9[%swap3A_780, %swap3A_781] {strides = array<i32>} : memref<32x1024xf32, #tpu.memory_space<vmem>>, vector<16xf32>,
            tpu.vector_store %arg9[%swap3A_780, %swap3A_781], %gather3A_776 {strides = array<i32>} : memref<32x1024xf32, #tpu.memory_space<vmem>>, vector<16xf32>,
            %lt3A_783 = arith.constant 0 : i32
            %lt3A_784 = vector.broadcast %lt3A_783 : i32 to vector<16xi32>
            %lt3A_785 = arith.cmpi slt, %get3A_305, %lt3A_784 : vector<16xi32>
            %add3A_786 = arith.constant 16 : i32
            %add3A_787 = vector.broadcast %add3A_786 : i32 to vector<16xi32>
            %add3A_788 = arith.addi %get3A_305, %add3A_787 : vector<16xi32>
            %select_n3A_789 = arith.select %lt3A_785, %add3A_788, %get3A_305 : vector<16xi1>, vector<16xi32>
            %broadcast_in_dim3A_790 = vector.shape_cast %select_n3A_789 : vector<16xi32> to vector<16x1xi32>
            %gather3A_791 = vector.shape_cast %broadcast_in_dim3A_790 : vector<16x1xi32> to vector<16xi32>
            %gather3A_792 = tpu.dynamic_gather %get3A_145[%gather3A_791] in [0] : vector<16xf32>, vector<16xi32> -> vector<16xf32>
            %mul3A_793 = arith.constant 16 : i32
            %mul3A_794 = arith.muli %scan3A_260, %mul3A_793 : i32
            %swap3A_795 = arith.constant 30 : i32
            %swap3A_796 = arith.index_cast %swap3A_795 : i32 to index
            %swap3A_797 = arith.index_cast %mul3A_794 : i32 to index
            %swap3A_798 = tpu.vector_load %arg9[%swap3A_796, %swap3A_797] {strides = array<i32>} : memref<32x1024xf32, #tpu.memory_space<vmem>>, vector<16xf32>,
            tpu.vector_store %arg9[%swap3A_796, %swap3A_797], %gather3A_792 {strides = array<i32>} : memref<32x1024xf32, #tpu.memory_space<vmem>>, vector<16xf32>,
            %lt3A_799 = arith.constant 0 : i32
            %lt3A_800 = vector.broadcast %lt3A_799 : i32 to vector<16xi32>
            %lt3A_801 = arith.cmpi slt, %get3A_305, %lt3A_800 : vector<16xi32>
            %add3A_802 = arith.constant 16 : i32
            %add3A_803 = vector.broadcast %add3A_802 : i32 to vector<16xi32>
            %add3A_804 = arith.addi %get3A_305, %add3A_803 : vector<16xi32>
            %select_n3A_805 = arith.select %lt3A_801, %add3A_804, %get3A_305 : vector<16xi1>, vector<16xi32>
            %broadcast_in_dim3A_806 = vector.shape_cast %select_n3A_805 : vector<16xi32> to vector<16x1xi32>
            %gather3A_807 = vector.shape_cast %broadcast_in_dim3A_806 : vector<16x1xi32> to vector<16xi32>
            %gather3A_808 = tpu.dynamic_gather %get3A_149[%gather3A_807] in [0] : vector<16xf32>, vector<16xi32> -> vector<16xf32>
            %mul3A_809 = arith.constant 16 : i32
            %mul3A_810 = arith.muli %scan3A_260, %mul3A_809 : i32
            %swap3A_811 = arith.constant 31 : i32
            %swap3A_812 = arith.index_cast %swap3A_811 : i32 to index
            %swap3A_813 = arith.index_cast %mul3A_810 : i32 to index
            %swap3A_814 = tpu.vector_load %arg9[%swap3A_812, %swap3A_813] {strides = array<i32>} : memref<32x1024xf32, #tpu.memory_space<vmem>>, vector<16xf32>,
            tpu.vector_store %arg9[%swap3A_812, %swap3A_813], %gather3A_808 {strides = array<i32>} : memref<32x1024xf32, #tpu.memory_space<vmem>>, vector<16xf32>,
          }
          %scan3A_250 = arith.constant 64 : i32
          %mul3A_251 = arith.constant 32 : i32
          %mul3A_252 = arith.muli %scan3A_211, %mul3A_251 : i32
          %add3A_253 = arith.addi %add3A, %mul3A_252 : i32
          %mul3A_254 = arith.constant 1024 : i32
          %mul3A_255 = arith.muli %add3A_253, %mul3A_254 : i32
          %dma_start3A_256 = arith.constant 0 : i32
          %dma_start3A_257 = tpu.memref_slice %arg5[%dma_start3A_256, %mul3A_255] : memref<32x1600000xf32, #tpu.memory_space<hbm>> -> memref<32x1024xf32, #tpu.memory_space<hbm>>
          %dma_start3A_258 = arith.constant 0 : i32
          %dma_start3A_259 = tpu.memref_slice %arg5[%dma_start3A_258, %mul3A_255] : memref<32x1600000xf32, #tpu.memory_space<hbm>> -> memref<32x1024xf32, #tpu.memory_space<hbm>>
          tpu.enqueue_dma source(%arg9 : memref<32x1024xf32, #tpu.memory_space<vmem>>) target(%dma_start3A_259 : memref<32x1024xf32, #tpu.memory_space<hbm>>) target_semaphore(%arg15 : memref<!tpu.dma_semaphore, #tpu.memory_space<semaphore_mem>>)
        } else {
        }
      } else {
      }
    }
    %scan3A_161 = arith.constant 49 : i32
    %sub3A_162 = arith.constant 1 : i32
    %sub3A_163 = arith.subi %select_n3A, %sub3A_162 : i32
    %sub3A_164 = arith.constant 0 : i32
    %sub3A_165 = arith.subi %sub3A_163, %sub3A_164 : i32
    %ge3A = arith.constant 0 : i32
    %ge3A_166 = arith.cmpi sge, %sub3A_165, %ge3A : i32
    %rem3A_167 = arith.constant 2 : i32
    %rem3A_168 = arith.remsi %sub3A_165, %rem3A_167 : i32
    %eq3A = arith.constant 0 : i32
    %eq3A_169 = arith.cmpi eq, %rem3A_168, %eq3A : i32
    %and3A_170 = arith.andi %ge3A_166, %eq3A_169 : i1
    %convert_element_type3A = arith.extui %and3A_170 : i1 to i32
    %cond3A = arith.constant 0 : i32
    %cond3A_171 = arith.cmpi ne, %convert_element_type3A, %cond3A : i32
    scf.if %cond3A_171 {
      %dma_wait3A = arith.constant 0 : i32
      %dma_wait3A_211 = arith.constant 0 : i32
      %dma_wait3A_212 = tpu.memref_slice %arg5[%dma_wait3A, %dma_wait3A_211] : memref<32x1600000xf32, #tpu.memory_space<hbm>> -> memref<32x1024xf32, #tpu.memory_space<hbm>>
      %dma_wait3A_213 = arith.constant 0 : i32
      %dma_wait3A_214 = arith.constant 0 : i32
      %dma_wait3A_215 = tpu.memref_slice %arg5[%dma_wait3A_213, %dma_wait3A_214] : memref<32x1600000xf32, #tpu.memory_space<hbm>> -> memref<32x1024xf32, #tpu.memory_space<hbm>>
      tpu.wait_dma2 semaphore(%arg14 : memref<!tpu.dma_semaphore, #tpu.memory_space<semaphore_mem>>) src(%arg8 : memref<32x1024xf32, #tpu.memory_space<vmem>>) dst(%dma_wait3A_215 : memref<32x1024xf32, #tpu.memory_space<hbm>>)
    } else {
    }
    %ge3A_172 = arith.constant 0 : i32
    %ge3A_173 = arith.cmpi sge, %sub3A_165, %ge3A_172 : i32
    %rem3A_174 = arith.constant 2 : i32
    %rem3A_175 = arith.remsi %sub3A_165, %rem3A_174 : i32
    %eq3A_176 = arith.constant 1 : i32
    %eq3A_177 = arith.cmpi eq, %rem3A_175, %eq3A_176 : i32
    %and3A_178 = arith.andi %ge3A_173, %eq3A_177 : i1
    %convert_element_type3A_179 = arith.extui %and3A_178 : i1 to i32
    %cond3A_180 = arith.constant 0 : i32
    %cond3A_181 = arith.cmpi ne, %convert_element_type3A_179, %cond3A_180 : i32
    scf.if %cond3A_181 {
      %dma_wait3A = arith.constant 0 : i32
      %dma_wait3A_211 = arith.constant 0 : i32
      %dma_wait3A_212 = tpu.memref_slice %arg5[%dma_wait3A, %dma_wait3A_211] : memref<32x1600000xf32, #tpu.memory_space<hbm>> -> memref<32x1024xf32, #tpu.memory_space<hbm>>
      %dma_wait3A_213 = arith.constant 0 : i32
      %dma_wait3A_214 = arith.constant 0 : i32
      %dma_wait3A_215 = tpu.memref_slice %arg5[%dma_wait3A_213, %dma_wait3A_214] : memref<32x1600000xf32, #tpu.memory_space<hbm>> -> memref<32x1024xf32, #tpu.memory_space<hbm>>
      tpu.wait_dma2 semaphore(%arg15 : memref<!tpu.dma_semaphore, #tpu.memory_space<semaphore_mem>>) src(%arg9 : memref<32x1024xf32, #tpu.memory_space<vmem>>) dst(%dma_wait3A_215 : memref<32x1024xf32, #tpu.memory_space<hbm>>)
    } else {
    }
    %sub3A_182 = arith.constant 1 : i32
    %sub3A_183 = arith.subi %select_n3A, %sub3A_182 : i32
    %sub3A_184 = arith.constant 1 : i32
    %sub3A_185 = arith.subi %sub3A_183, %sub3A_184 : i32
    %ge3A_186 = arith.constant 0 : i32
    %ge3A_187 = arith.cmpi sge, %sub3A_185, %ge3A_186 : i32
    %rem3A_188 = arith.constant 2 : i32
    %rem3A_189 = arith.remsi %sub3A_185, %rem3A_188 : i32
    %eq3A_190 = arith.constant 0 : i32
    %eq3A_191 = arith.cmpi eq, %rem3A_189, %eq3A_190 : i32
    %and3A_192 = arith.andi %ge3A_187, %eq3A_191 : i1
    %convert_element_type3A_193 = arith.extui %and3A_192 : i1 to i32
    %cond3A_194 = arith.constant 0 : i32
    %cond3A_195 = arith.cmpi ne, %convert_element_type3A_193, %cond3A_194 : i32
    scf.if %cond3A_195 {
      %dma_wait3A = arith.constant 0 : i32
      %dma_wait3A_211 = arith.constant 0 : i32
      %dma_wait3A_212 = tpu.memref_slice %arg5[%dma_wait3A, %dma_wait3A_211] : memref<32x1600000xf32, #tpu.memory_space<hbm>> -> memref<32x1024xf32, #tpu.memory_space<hbm>>
      %dma_wait3A_213 = arith.constant 0 : i32
      %dma_wait3A_214 = arith.constant 0 : i32
      %dma_wait3A_215 = tpu.memref_slice %arg5[%dma_wait3A_213, %dma_wait3A_214] : memref<32x1600000xf32, #tpu.memory_space<hbm>> -> memref<32x1024xf32, #tpu.memory_space<hbm>>
      tpu.wait_dma2 semaphore(%arg14 : memref<!tpu.dma_semaphore, #tpu.memory_space<semaphore_mem>>) src(%arg8 : memref<32x1024xf32, #tpu.memory_space<vmem>>) dst(%dma_wait3A_215 : memref<32x1024xf32, #tpu.memory_space<hbm>>)
    } else {
    }
    %ge3A_196 = arith.constant 0 : i32
    %ge3A_197 = arith.cmpi sge, %sub3A_185, %ge3A_196 : i32
    %rem3A_198 = arith.constant 2 : i32
    %rem3A_199 = arith.remsi %sub3A_185, %rem3A_198 : i32
    %eq3A_200 = arith.constant 1 : i32
    %eq3A_201 = arith.cmpi eq, %rem3A_199, %eq3A_200 : i32
    %and3A_202 = arith.andi %ge3A_197, %eq3A_201 : i1
    %convert_element_type3A_203 = arith.extui %and3A_202 : i1 to i32
    %cond3A_204 = arith.constant 0 : i32
    %cond3A_205 = arith.cmpi ne, %convert_element_type3A_203, %cond3A_204 : i32
    scf.if %cond3A_205 {
      %dma_wait3A = arith.constant 0 : i32
      %dma_wait3A_211 = arith.constant 0 : i32
      %dma_wait3A_212 = tpu.memref_slice %arg5[%dma_wait3A, %dma_wait3A_211] : memref<32x1600000xf32, #tpu.memory_space<hbm>> -> memref<32x1024xf32, #tpu.memory_space<hbm>>
      %dma_wait3A_213 = arith.constant 0 : i32
      %dma_wait3A_214 = arith.constant 0 : i32
      %dma_wait3A_215 = tpu.memref_slice %arg5[%dma_wait3A_213, %dma_wait3A_214] : memref<32x1600000xf32, #tpu.memory_space<hbm>> -> memref<32x1024xf32, #tpu.memory_space<hbm>>
      tpu.wait_dma2 semaphore(%arg15 : memref<!tpu.dma_semaphore, #tpu.memory_space<semaphore_mem>>) src(%arg9 : memref<32x1024xf32, #tpu.memory_space<vmem>>) dst(%dma_wait3A_215 : memref<32x1024xf32, #tpu.memory_space<hbm>>)
    } else {
    }
    %eq3A_206 = arith.constant 31 : i32
    %eq3A_207 = arith.cmpi eq, %add3A, %eq3A_206 : i32
    %convert_element_type3A_208 = arith.extui %eq3A_207 : i1 to i32
    %cond3A_209 = arith.constant 0 : i32
    %cond3A_210 = arith.cmpi ne, %convert_element_type3A_208, %cond3A_209 : i32
    scf.if %cond3A_210 {
      "tpu.region"() ({
        %run_scoped3A = tpu.sem_alloc : memref<!tpu.dma_semaphore, #tpu.memory_space<semaphore_mem>>
        tpu.enqueue_dma source(%arg3 : memref<512xi32, #tpu.memory_space<hbm>>) target(%arg10 : memref<512xi32, #tpu.memory_space<vmem>>) target_semaphore(%run_scoped3A : memref<!tpu.dma_semaphore, #tpu.memory_space<semaphore_mem>>)
        tpu.wait_dma2 semaphore(%run_scoped3A : memref<!tpu.dma_semaphore, #tpu.memory_space<semaphore_mem>>) src(%arg3 : memref<512xi32, #tpu.memory_space<hbm>>) dst(%arg10 : memref<512xi32, #tpu.memory_space<vmem>>)
        tpu.yield
      }) : () -> ()
      %scan3A_211 = arith.constant 0 : i32
      %scan3A_212 = arith.constant 0 : i32
      %scan3A_213 = arith.constant 32 : i32
      %scan3A_214 = arith.addi %scan3A_212, %scan3A_213 : i32
      %scan3A_215 = arith.constant 1 : i32
      scf.for %scan3A_217 = %scan3A_212 to %scan3A_214 step %scan3A_215  : i32 {
        %mul3A_218 = arith.constant 16 : i32
        %mul3A_219 = arith.muli %scan3A_217, %mul3A_218 : i32
        %get3A_220 = arith.index_cast %mul3A_219 : i32 to index
        %get3A_221 = tpu.vector_load %arg10[%get3A_220] {strides = array<i32>} : memref<512xi32, #tpu.memory_space<vmem>>, vector<16xi32>,
        %lt3A = arith.constant 0 : i32
        %lt3A_222 = vector.broadcast %lt3A : i32 to vector<16xi32>
        %lt3A_223 = arith.cmpi slt, %get3A_221, %lt3A_222 : vector<16xi32>
        %add3A_224 = arith.constant 16 : i32
        %add3A_225 = vector.broadcast %add3A_224 : i32 to vector<16xi32>
        %add3A_226 = arith.addi %get3A_221, %add3A_225 : vector<16xi32>
        %select_n3A_227 = arith.select %lt3A_223, %add3A_226, %get3A_221 : vector<16xi1>, vector<16xi32>
        %broadcast_in_dim3A = vector.shape_cast %select_n3A_227 : vector<16xi32> to vector<16x1xi32>
        %gather3A = vector.shape_cast %broadcast_in_dim3A : vector<16x1xi32> to vector<16xi32>
        %gather3A_228 = tpu.dynamic_gather %get3A_25[%gather3A] in [0] : vector<16xf32>, vector<16xi32> -> vector<16xf32>
        %swap3A = arith.constant 0 : i32
        %swap3A_229 = arith.index_cast %swap3A : i32 to index
        %swap3A_230 = arith.index_cast %mul3A_219 : i32 to index
        %swap3A_231 = tpu.vector_load %arg8[%swap3A_229, %swap3A_230] {strides = array<i32>} : memref<32x1024xf32, #tpu.memory_space<vmem>>, vector<16xf32>,
        tpu.vector_store %arg8[%swap3A_229, %swap3A_230], %gather3A_228 {strides = array<i32>} : memref<32x1024xf32, #tpu.memory_space<vmem>>, vector<16xf32>,
        %lt3A_232 = arith.constant 0 : i32
        %lt3A_233 = vector.broadcast %lt3A_232 : i32 to vector<16xi32>
        %lt3A_234 = arith.cmpi slt, %get3A_221, %lt3A_233 : vector<16xi32>
        %add3A_235 = arith.constant 16 : i32
        %add3A_236 = vector.broadcast %add3A_235 : i32 to vector<16xi32>
        %add3A_237 = arith.addi %get3A_221, %add3A_236 : vector<16xi32>
        %select_n3A_238 = arith.select %lt3A_234, %add3A_237, %get3A_221 : vector<16xi1>, vector<16xi32>
        %broadcast_in_dim3A_239 = vector.shape_cast %select_n3A_238 : vector<16xi32> to vector<16x1xi32>
        %gather3A_240 = vector.shape_cast %broadcast_in_dim3A_239 : vector<16x1xi32> to vector<16xi32>
        %gather3A_241 = tpu.dynamic_gather %get3A_29[%gather3A_240] in [0] : vector<16xf32>, vector<16xi32> -> vector<16xf32>
        %swap3A_242 = arith.constant 1 : i32
        %swap3A_243 = arith.index_cast %swap3A_242 : i32 to index
        %swap3A_244 = arith.index_cast %mul3A_219 : i32 to index
        %swap3A_245 = tpu.vector_load %arg8[%swap3A_243, %swap3A_244] {strides = array<i32>} : memref<32x1024xf32, #tpu.memory_space<vmem>>, vector<16xf32>,
        tpu.vector_store %arg8[%swap3A_243, %swap3A_244], %gather3A_241 {strides = array<i32>} : memref<32x1024xf32, #tpu.memory_space<vmem>>, vector<16xf32>,
        %lt3A_246 = arith.constant 0 : i32
        %lt3A_247 = vector.broadcast %lt3A_246 : i32 to vector<16xi32>
        %lt3A_248 = arith.cmpi slt, %get3A_221, %lt3A_247 : vector<16xi32>
        %add3A_249 = arith.constant 16 : i32
        %add3A_250 = vector.broadcast %add3A_249 : i32 to vector<16xi32>
        %add3A_251 = arith.addi %get3A_221, %add3A_250 : vector<16xi32>
        %select_n3A_252 = arith.select %lt3A_248, %add3A_251, %get3A_221 : vector<16xi1>, vector<16xi32>
        %broadcast_in_dim3A_253 = vector.shape_cast %select_n3A_252 : vector<16xi32> to vector<16x1xi32>
        %gather3A_254 = vector.shape_cast %broadcast_in_dim3A_253 : vector<16x1xi32> to vector<16xi32>
        %gather3A_255 = tpu.dynamic_gather %get3A_33[%gather3A_254] in [0] : vector<16xf32>, vector<16xi32> -> vector<16xf32>
        %swap3A_256 = arith.constant 2 : i32
        %swap3A_257 = arith.index_cast %swap3A_256 : i32 to index
        %swap3A_258 = arith.index_cast %mul3A_219 : i32 to index
        %swap3A_259 = tpu.vector_load %arg8[%swap3A_257, %swap3A_258] {strides = array<i32>} : memref<32x1024xf32, #tpu.memory_space<vmem>>, vector<16xf32>,
        tpu.vector_store %arg8[%swap3A_257, %swap3A_258], %gather3A_255 {strides = array<i32>} : memref<32x1024xf32, #tpu.memory_space<vmem>>, vector<16xf32>,
        %lt3A_260 = arith.constant 0 : i32
        %lt3A_261 = vector.broadcast %lt3A_260 : i32 to vector<16xi32>
        %lt3A_262 = arith.cmpi slt, %get3A_221, %lt3A_261 : vector<16xi32>
        %add3A_263 = arith.constant 16 : i32
        %add3A_264 = vector.broadcast %add3A_263 : i32 to vector<16xi32>
        %add3A_265 = arith.addi %get3A_221, %add3A_264 : vector<16xi32>
        %select_n3A_266 = arith.select %lt3A_262, %add3A_265, %get3A_221 : vector<16xi1>, vector<16xi32>
        %broadcast_in_dim3A_267 = vector.shape_cast %select_n3A_266 : vector<16xi32> to vector<16x1xi32>
        %gather3A_268 = vector.shape_cast %broadcast_in_dim3A_267 : vector<16x1xi32> to vector<16xi32>
        %gather3A_269 = tpu.dynamic_gather %get3A_37[%gather3A_268] in [0] : vector<16xf32>, vector<16xi32> -> vector<16xf32>
        %swap3A_270 = arith.constant 3 : i32
        %swap3A_271 = arith.index_cast %swap3A_270 : i32 to index
        %swap3A_272 = arith.index_cast %mul3A_219 : i32 to index
        %swap3A_273 = tpu.vector_load %arg8[%swap3A_271, %swap3A_272] {strides = array<i32>} : memref<32x1024xf32, #tpu.memory_space<vmem>>, vector<16xf32>,
        tpu.vector_store %arg8[%swap3A_271, %swap3A_272], %gather3A_269 {strides = array<i32>} : memref<32x1024xf32, #tpu.memory_space<vmem>>, vector<16xf32>,
        %lt3A_274 = arith.constant 0 : i32
        %lt3A_275 = vector.broadcast %lt3A_274 : i32 to vector<16xi32>
        %lt3A_276 = arith.cmpi slt, %get3A_221, %lt3A_275 : vector<16xi32>
        %add3A_277 = arith.constant 16 : i32
        %add3A_278 = vector.broadcast %add3A_277 : i32 to vector<16xi32>
        %add3A_279 = arith.addi %get3A_221, %add3A_278 : vector<16xi32>
        %select_n3A_280 = arith.select %lt3A_276, %add3A_279, %get3A_221 : vector<16xi1>, vector<16xi32>
        %broadcast_in_dim3A_281 = vector.shape_cast %select_n3A_280 : vector<16xi32> to vector<16x1xi32>
        %gather3A_282 = vector.shape_cast %broadcast_in_dim3A_281 : vector<16x1xi32> to vector<16xi32>
        %gather3A_283 = tpu.dynamic_gather %get3A_41[%gather3A_282] in [0] : vector<16xf32>, vector<16xi32> -> vector<16xf32>
        %swap3A_284 = arith.constant 4 : i32
        %swap3A_285 = arith.index_cast %swap3A_284 : i32 to index
        %swap3A_286 = arith.index_cast %mul3A_219 : i32 to index
        %swap3A_287 = tpu.vector_load %arg8[%swap3A_285, %swap3A_286] {strides = array<i32>} : memref<32x1024xf32, #tpu.memory_space<vmem>>, vector<16xf32>,
        tpu.vector_store %arg8[%swap3A_285, %swap3A_286], %gather3A_283 {strides = array<i32>} : memref<32x1024xf32, #tpu.memory_space<vmem>>, vector<16xf32>,
        %lt3A_288 = arith.constant 0 : i32
        %lt3A_289 = vector.broadcast %lt3A_288 : i32 to vector<16xi32>
        %lt3A_290 = arith.cmpi slt, %get3A_221, %lt3A_289 : vector<16xi32>
        %add3A_291 = arith.constant 16 : i32
        %add3A_292 = vector.broadcast %add3A_291 : i32 to vector<16xi32>
        %add3A_293 = arith.addi %get3A_221, %add3A_292 : vector<16xi32>
        %select_n3A_294 = arith.select %lt3A_290, %add3A_293, %get3A_221 : vector<16xi1>, vector<16xi32>
        %broadcast_in_dim3A_295 = vector.shape_cast %select_n3A_294 : vector<16xi32> to vector<16x1xi32>
        %gather3A_296 = vector.shape_cast %broadcast_in_dim3A_295 : vector<16x1xi32> to vector<16xi32>
        %gather3A_297 = tpu.dynamic_gather %get3A_45[%gather3A_296] in [0] : vector<16xf32>, vector<16xi32> -> vector<16xf32>
        %swap3A_298 = arith.constant 5 : i32
        %swap3A_299 = arith.index_cast %swap3A_298 : i32 to index
        %swap3A_300 = arith.index_cast %mul3A_219 : i32 to index
        %swap3A_301 = tpu.vector_load %arg8[%swap3A_299, %swap3A_300] {strides = array<i32>} : memref<32x1024xf32, #tpu.memory_space<vmem>>, vector<16xf32>,
        tpu.vector_store %arg8[%swap3A_299, %swap3A_300], %gather3A_297 {strides = array<i32>} : memref<32x1024xf32, #tpu.memory_space<vmem>>, vector<16xf32>,
        %lt3A_302 = arith.constant 0 : i32
        %lt3A_303 = vector.broadcast %lt3A_302 : i32 to vector<16xi32>
        %lt3A_304 = arith.cmpi slt, %get3A_221, %lt3A_303 : vector<16xi32>
        %add3A_305 = arith.constant 16 : i32
        %add3A_306 = vector.broadcast %add3A_305 : i32 to vector<16xi32>
        %add3A_307 = arith.addi %get3A_221, %add3A_306 : vector<16xi32>
        %select_n3A_308 = arith.select %lt3A_304, %add3A_307, %get3A_221 : vector<16xi1>, vector<16xi32>
        %broadcast_in_dim3A_309 = vector.shape_cast %select_n3A_308 : vector<16xi32> to vector<16x1xi32>
        %gather3A_310 = vector.shape_cast %broadcast_in_dim3A_309 : vector<16x1xi32> to vector<16xi32>
        %gather3A_311 = tpu.dynamic_gather %get3A_49[%gather3A_310] in [0] : vector<16xf32>, vector<16xi32> -> vector<16xf32>
        %swap3A_312 = arith.constant 6 : i32
        %swap3A_313 = arith.index_cast %swap3A_312 : i32 to index
        %swap3A_314 = arith.index_cast %mul3A_219 : i32 to index
        %swap3A_315 = tpu.vector_load %arg8[%swap3A_313, %swap3A_314] {strides = array<i32>} : memref<32x1024xf32, #tpu.memory_space<vmem>>, vector<16xf32>,
        tpu.vector_store %arg8[%swap3A_313, %swap3A_314], %gather3A_311 {strides = array<i32>} : memref<32x1024xf32, #tpu.memory_space<vmem>>, vector<16xf32>,
        %lt3A_316 = arith.constant 0 : i32
        %lt3A_317 = vector.broadcast %lt3A_316 : i32 to vector<16xi32>
        %lt3A_318 = arith.cmpi slt, %get3A_221, %lt3A_317 : vector<16xi32>
        %add3A_319 = arith.constant 16 : i32
        %add3A_320 = vector.broadcast %add3A_319 : i32 to vector<16xi32>
        %add3A_321 = arith.addi %get3A_221, %add3A_320 : vector<16xi32>
        %select_n3A_322 = arith.select %lt3A_318, %add3A_321, %get3A_221 : vector<16xi1>, vector<16xi32>
        %broadcast_in_dim3A_323 = vector.shape_cast %select_n3A_322 : vector<16xi32> to vector<16x1xi32>
        %gather3A_324 = vector.shape_cast %broadcast_in_dim3A_323 : vector<16x1xi32> to vector<16xi32>
        %gather3A_325 = tpu.dynamic_gather %get3A_53[%gather3A_324] in [0] : vector<16xf32>, vector<16xi32> -> vector<16xf32>
        %swap3A_326 = arith.constant 7 : i32
        %swap3A_327 = arith.index_cast %swap3A_326 : i32 to index
        %swap3A_328 = arith.index_cast %mul3A_219 : i32 to index
        %swap3A_329 = tpu.vector_load %arg8[%swap3A_327, %swap3A_328] {strides = array<i32>} : memref<32x1024xf32, #tpu.memory_space<vmem>>, vector<16xf32>,
        tpu.vector_store %arg8[%swap3A_327, %swap3A_328], %gather3A_325 {strides = array<i32>} : memref<32x1024xf32, #tpu.memory_space<vmem>>, vector<16xf32>,
        %lt3A_330 = arith.constant 0 : i32
        %lt3A_331 = vector.broadcast %lt3A_330 : i32 to vector<16xi32>
        %lt3A_332 = arith.cmpi slt, %get3A_221, %lt3A_331 : vector<16xi32>
        %add3A_333 = arith.constant 16 : i32
        %add3A_334 = vector.broadcast %add3A_333 : i32 to vector<16xi32>
        %add3A_335 = arith.addi %get3A_221, %add3A_334 : vector<16xi32>
        %select_n3A_336 = arith.select %lt3A_332, %add3A_335, %get3A_221 : vector<16xi1>, vector<16xi32>
        %broadcast_in_dim3A_337 = vector.shape_cast %select_n3A_336 : vector<16xi32> to vector<16x1xi32>
        %gather3A_338 = vector.shape_cast %broadcast_in_dim3A_337 : vector<16x1xi32> to vector<16xi32>
        %gather3A_339 = tpu.dynamic_gather %get3A_57[%gather3A_338] in [0] : vector<16xf32>, vector<16xi32> -> vector<16xf32>
        %swap3A_340 = arith.constant 8 : i32
        %swap3A_341 = arith.index_cast %swap3A_340 : i32 to index
        %swap3A_342 = arith.index_cast %mul3A_219 : i32 to index
        %swap3A_343 = tpu.vector_load %arg8[%swap3A_341, %swap3A_342] {strides = array<i32>} : memref<32x1024xf32, #tpu.memory_space<vmem>>, vector<16xf32>,
        tpu.vector_store %arg8[%swap3A_341, %swap3A_342], %gather3A_339 {strides = array<i32>} : memref<32x1024xf32, #tpu.memory_space<vmem>>, vector<16xf32>,
        %lt3A_344 = arith.constant 0 : i32
        %lt3A_345 = vector.broadcast %lt3A_344 : i32 to vector<16xi32>
        %lt3A_346 = arith.cmpi slt, %get3A_221, %lt3A_345 : vector<16xi32>
        %add3A_347 = arith.constant 16 : i32
        %add3A_348 = vector.broadcast %add3A_347 : i32 to vector<16xi32>
        %add3A_349 = arith.addi %get3A_221, %add3A_348 : vector<16xi32>
        %select_n3A_350 = arith.select %lt3A_346, %add3A_349, %get3A_221 : vector<16xi1>, vector<16xi32>
        %broadcast_in_dim3A_351 = vector.shape_cast %select_n3A_350 : vector<16xi32> to vector<16x1xi32>
        %gather3A_352 = vector.shape_cast %broadcast_in_dim3A_351 : vector<16x1xi32> to vector<16xi32>
        %gather3A_353 = tpu.dynamic_gather %get3A_61[%gather3A_352] in [0] : vector<16xf32>, vector<16xi32> -> vector<16xf32>
        %swap3A_354 = arith.constant 9 : i32
        %swap3A_355 = arith.index_cast %swap3A_354 : i32 to index
        %swap3A_356 = arith.index_cast %mul3A_219 : i32 to index
        %swap3A_357 = tpu.vector_load %arg8[%swap3A_355, %swap3A_356] {strides = array<i32>} : memref<32x1024xf32, #tpu.memory_space<vmem>>, vector<16xf32>,
        tpu.vector_store %arg8[%swap3A_355, %swap3A_356], %gather3A_353 {strides = array<i32>} : memref<32x1024xf32, #tpu.memory_space<vmem>>, vector<16xf32>,
        %lt3A_358 = arith.constant 0 : i32
        %lt3A_359 = vector.broadcast %lt3A_358 : i32 to vector<16xi32>
        %lt3A_360 = arith.cmpi slt, %get3A_221, %lt3A_359 : vector<16xi32>
        %add3A_361 = arith.constant 16 : i32
        %add3A_362 = vector.broadcast %add3A_361 : i32 to vector<16xi32>
        %add3A_363 = arith.addi %get3A_221, %add3A_362 : vector<16xi32>
        %select_n3A_364 = arith.select %lt3A_360, %add3A_363, %get3A_221 : vector<16xi1>, vector<16xi32>
        %broadcast_in_dim3A_365 = vector.shape_cast %select_n3A_364 : vector<16xi32> to vector<16x1xi32>
        %gather3A_366 = vector.shape_cast %broadcast_in_dim3A_365 : vector<16x1xi32> to vector<16xi32>
        %gather3A_367 = tpu.dynamic_gather %get3A_65[%gather3A_366] in [0] : vector<16xf32>, vector<16xi32> -> vector<16xf32>
        %swap3A_368 = arith.constant 10 : i32
        %swap3A_369 = arith.index_cast %swap3A_368 : i32 to index
        %swap3A_370 = arith.index_cast %mul3A_219 : i32 to index
        %swap3A_371 = tpu.vector_load %arg8[%swap3A_369, %swap3A_370] {strides = array<i32>} : memref<32x1024xf32, #tpu.memory_space<vmem>>, vector<16xf32>,
        tpu.vector_store %arg8[%swap3A_369, %swap3A_370], %gather3A_367 {strides = array<i32>} : memref<32x1024xf32, #tpu.memory_space<vmem>>, vector<16xf32>,
        %lt3A_372 = arith.constant 0 : i32
        %lt3A_373 = vector.broadcast %lt3A_372 : i32 to vector<16xi32>
        %lt3A_374 = arith.cmpi slt, %get3A_221, %lt3A_373 : vector<16xi32>
        %add3A_375 = arith.constant 16 : i32
        %add3A_376 = vector.broadcast %add3A_375 : i32 to vector<16xi32>
        %add3A_377 = arith.addi %get3A_221, %add3A_376 : vector<16xi32>
        %select_n3A_378 = arith.select %lt3A_374, %add3A_377, %get3A_221 : vector<16xi1>, vector<16xi32>
        %broadcast_in_dim3A_379 = vector.shape_cast %select_n3A_378 : vector<16xi32> to vector<16x1xi32>
        %gather3A_380 = vector.shape_cast %broadcast_in_dim3A_379 : vector<16x1xi32> to vector<16xi32>
        %gather3A_381 = tpu.dynamic_gather %get3A_69[%gather3A_380] in [0] : vector<16xf32>, vector<16xi32> -> vector<16xf32>
        %swap3A_382 = arith.constant 11 : i32
        %swap3A_383 = arith.index_cast %swap3A_382 : i32 to index
        %swap3A_384 = arith.index_cast %mul3A_219 : i32 to index
        %swap3A_385 = tpu.vector_load %arg8[%swap3A_383, %swap3A_384] {strides = array<i32>} : memref<32x1024xf32, #tpu.memory_space<vmem>>, vector<16xf32>,
        tpu.vector_store %arg8[%swap3A_383, %swap3A_384], %gather3A_381 {strides = array<i32>} : memref<32x1024xf32, #tpu.memory_space<vmem>>, vector<16xf32>,
        %lt3A_386 = arith.constant 0 : i32
        %lt3A_387 = vector.broadcast %lt3A_386 : i32 to vector<16xi32>
        %lt3A_388 = arith.cmpi slt, %get3A_221, %lt3A_387 : vector<16xi32>
        %add3A_389 = arith.constant 16 : i32
        %add3A_390 = vector.broadcast %add3A_389 : i32 to vector<16xi32>
        %add3A_391 = arith.addi %get3A_221, %add3A_390 : vector<16xi32>
        %select_n3A_392 = arith.select %lt3A_388, %add3A_391, %get3A_221 : vector<16xi1>, vector<16xi32>
        %broadcast_in_dim3A_393 = vector.shape_cast %select_n3A_392 : vector<16xi32> to vector<16x1xi32>
        %gather3A_394 = vector.shape_cast %broadcast_in_dim3A_393 : vector<16x1xi32> to vector<16xi32>
        %gather3A_395 = tpu.dynamic_gather %get3A_73[%gather3A_394] in [0] : vector<16xf32>, vector<16xi32> -> vector<16xf32>
        %swap3A_396 = arith.constant 12 : i32
        %swap3A_397 = arith.index_cast %swap3A_396 : i32 to index
        %swap3A_398 = arith.index_cast %mul3A_219 : i32 to index
        %swap3A_399 = tpu.vector_load %arg8[%swap3A_397, %swap3A_398] {strides = array<i32>} : memref<32x1024xf32, #tpu.memory_space<vmem>>, vector<16xf32>,
        tpu.vector_store %arg8[%swap3A_397, %swap3A_398], %gather3A_395 {strides = array<i32>} : memref<32x1024xf32, #tpu.memory_space<vmem>>, vector<16xf32>,
        %lt3A_400 = arith.constant 0 : i32
        %lt3A_401 = vector.broadcast %lt3A_400 : i32 to vector<16xi32>
        %lt3A_402 = arith.cmpi slt, %get3A_221, %lt3A_401 : vector<16xi32>
        %add3A_403 = arith.constant 16 : i32
        %add3A_404 = vector.broadcast %add3A_403 : i32 to vector<16xi32>
        %add3A_405 = arith.addi %get3A_221, %add3A_404 : vector<16xi32>
        %select_n3A_406 = arith.select %lt3A_402, %add3A_405, %get3A_221 : vector<16xi1>, vector<16xi32>
        %broadcast_in_dim3A_407 = vector.shape_cast %select_n3A_406 : vector<16xi32> to vector<16x1xi32>
        %gather3A_408 = vector.shape_cast %broadcast_in_dim3A_407 : vector<16x1xi32> to vector<16xi32>
        %gather3A_409 = tpu.dynamic_gather %get3A_77[%gather3A_408] in [0] : vector<16xf32>, vector<16xi32> -> vector<16xf32>
        %swap3A_410 = arith.constant 13 : i32
        %swap3A_411 = arith.index_cast %swap3A_410 : i32 to index
        %swap3A_412 = arith.index_cast %mul3A_219 : i32 to index
        %swap3A_413 = tpu.vector_load %arg8[%swap3A_411, %swap3A_412] {strides = array<i32>} : memref<32x1024xf32, #tpu.memory_space<vmem>>, vector<16xf32>,
        tpu.vector_store %arg8[%swap3A_411, %swap3A_412], %gather3A_409 {strides = array<i32>} : memref<32x1024xf32, #tpu.memory_space<vmem>>, vector<16xf32>,
        %lt3A_414 = arith.constant 0 : i32
        %lt3A_415 = vector.broadcast %lt3A_414 : i32 to vector<16xi32>
        %lt3A_416 = arith.cmpi slt, %get3A_221, %lt3A_415 : vector<16xi32>
        %add3A_417 = arith.constant 16 : i32
        %add3A_418 = vector.broadcast %add3A_417 : i32 to vector<16xi32>
        %add3A_419 = arith.addi %get3A_221, %add3A_418 : vector<16xi32>
        %select_n3A_420 = arith.select %lt3A_416, %add3A_419, %get3A_221 : vector<16xi1>, vector<16xi32>
        %broadcast_in_dim3A_421 = vector.shape_cast %select_n3A_420 : vector<16xi32> to vector<16x1xi32>
        %gather3A_422 = vector.shape_cast %broadcast_in_dim3A_421 : vector<16x1xi32> to vector<16xi32>
        %gather3A_423 = tpu.dynamic_gather %get3A_81[%gather3A_422] in [0] : vector<16xf32>, vector<16xi32> -> vector<16xf32>
        %swap3A_424 = arith.constant 14 : i32
        %swap3A_425 = arith.index_cast %swap3A_424 : i32 to index
        %swap3A_426 = arith.index_cast %mul3A_219 : i32 to index
        %swap3A_427 = tpu.vector_load %arg8[%swap3A_425, %swap3A_426] {strides = array<i32>} : memref<32x1024xf32, #tpu.memory_space<vmem>>, vector<16xf32>,
        tpu.vector_store %arg8[%swap3A_425, %swap3A_426], %gather3A_423 {strides = array<i32>} : memref<32x1024xf32, #tpu.memory_space<vmem>>, vector<16xf32>,
        %lt3A_428 = arith.constant 0 : i32
        %lt3A_429 = vector.broadcast %lt3A_428 : i32 to vector<16xi32>
        %lt3A_430 = arith.cmpi slt, %get3A_221, %lt3A_429 : vector<16xi32>
        %add3A_431 = arith.constant 16 : i32
        %add3A_432 = vector.broadcast %add3A_431 : i32 to vector<16xi32>
        %add3A_433 = arith.addi %get3A_221, %add3A_432 : vector<16xi32>
        %select_n3A_434 = arith.select %lt3A_430, %add3A_433, %get3A_221 : vector<16xi1>, vector<16xi32>
        %broadcast_in_dim3A_435 = vector.shape_cast %select_n3A_434 : vector<16xi32> to vector<16x1xi32>
        %gather3A_436 = vector.shape_cast %broadcast_in_dim3A_435 : vector<16x1xi32> to vector<16xi32>
        %gather3A_437 = tpu.dynamic_gather %get3A_85[%gather3A_436] in [0] : vector<16xf32>, vector<16xi32> -> vector<16xf32>
        %swap3A_438 = arith.constant 15 : i32
        %swap3A_439 = arith.index_cast %swap3A_438 : i32 to index
        %swap3A_440 = arith.index_cast %mul3A_219 : i32 to index
        %swap3A_441 = tpu.vector_load %arg8[%swap3A_439, %swap3A_440] {strides = array<i32>} : memref<32x1024xf32, #tpu.memory_space<vmem>>, vector<16xf32>,
        tpu.vector_store %arg8[%swap3A_439, %swap3A_440], %gather3A_437 {strides = array<i32>} : memref<32x1024xf32, #tpu.memory_space<vmem>>, vector<16xf32>,
        %lt3A_442 = arith.constant 0 : i32
        %lt3A_443 = vector.broadcast %lt3A_442 : i32 to vector<16xi32>
        %lt3A_444 = arith.cmpi slt, %get3A_221, %lt3A_443 : vector<16xi32>
        %add3A_445 = arith.constant 16 : i32
        %add3A_446 = vector.broadcast %add3A_445 : i32 to vector<16xi32>
        %add3A_447 = arith.addi %get3A_221, %add3A_446 : vector<16xi32>
        %select_n3A_448 = arith.select %lt3A_444, %add3A_447, %get3A_221 : vector<16xi1>, vector<16xi32>
        %broadcast_in_dim3A_449 = vector.shape_cast %select_n3A_448 : vector<16xi32> to vector<16x1xi32>
        %gather3A_450 = vector.shape_cast %broadcast_in_dim3A_449 : vector<16x1xi32> to vector<16xi32>
        %gather3A_451 = tpu.dynamic_gather %get3A_89[%gather3A_450] in [0] : vector<16xf32>, vector<16xi32> -> vector<16xf32>
        %swap3A_452 = arith.constant 16 : i32
        %swap3A_453 = arith.index_cast %swap3A_452 : i32 to index
        %swap3A_454 = arith.index_cast %mul3A_219 : i32 to index
        %swap3A_455 = tpu.vector_load %arg8[%swap3A_453, %swap3A_454] {strides = array<i32>} : memref<32x1024xf32, #tpu.memory_space<vmem>>, vector<16xf32>,
        tpu.vector_store %arg8[%swap3A_453, %swap3A_454], %gather3A_451 {strides = array<i32>} : memref<32x1024xf32, #tpu.memory_space<vmem>>, vector<16xf32>,
        %lt3A_456 = arith.constant 0 : i32
        %lt3A_457 = vector.broadcast %lt3A_456 : i32 to vector<16xi32>
        %lt3A_458 = arith.cmpi slt, %get3A_221, %lt3A_457 : vector<16xi32>
        %add3A_459 = arith.constant 16 : i32
        %add3A_460 = vector.broadcast %add3A_459 : i32 to vector<16xi32>
        %add3A_461 = arith.addi %get3A_221, %add3A_460 : vector<16xi32>
        %select_n3A_462 = arith.select %lt3A_458, %add3A_461, %get3A_221 : vector<16xi1>, vector<16xi32>
        %broadcast_in_dim3A_463 = vector.shape_cast %select_n3A_462 : vector<16xi32> to vector<16x1xi32>
        %gather3A_464 = vector.shape_cast %broadcast_in_dim3A_463 : vector<16x1xi32> to vector<16xi32>
        %gather3A_465 = tpu.dynamic_gather %get3A_93[%gather3A_464] in [0] : vector<16xf32>, vector<16xi32> -> vector<16xf32>
        %swap3A_466 = arith.constant 17 : i32
        %swap3A_467 = arith.index_cast %swap3A_466 : i32 to index
        %swap3A_468 = arith.index_cast %mul3A_219 : i32 to index
        %swap3A_469 = tpu.vector_load %arg8[%swap3A_467, %swap3A_468] {strides = array<i32>} : memref<32x1024xf32, #tpu.memory_space<vmem>>, vector<16xf32>,
        tpu.vector_store %arg8[%swap3A_467, %swap3A_468], %gather3A_465 {strides = array<i32>} : memref<32x1024xf32, #tpu.memory_space<vmem>>, vector<16xf32>,
        %lt3A_470 = arith.constant 0 : i32
        %lt3A_471 = vector.broadcast %lt3A_470 : i32 to vector<16xi32>
        %lt3A_472 = arith.cmpi slt, %get3A_221, %lt3A_471 : vector<16xi32>
        %add3A_473 = arith.constant 16 : i32
        %add3A_474 = vector.broadcast %add3A_473 : i32 to vector<16xi32>
        %add3A_475 = arith.addi %get3A_221, %add3A_474 : vector<16xi32>
        %select_n3A_476 = arith.select %lt3A_472, %add3A_475, %get3A_221 : vector<16xi1>, vector<16xi32>
        %broadcast_in_dim3A_477 = vector.shape_cast %select_n3A_476 : vector<16xi32> to vector<16x1xi32>
        %gather3A_478 = vector.shape_cast %broadcast_in_dim3A_477 : vector<16x1xi32> to vector<16xi32>
        %gather3A_479 = tpu.dynamic_gather %get3A_97[%gather3A_478] in [0] : vector<16xf32>, vector<16xi32> -> vector<16xf32>
        %swap3A_480 = arith.constant 18 : i32
        %swap3A_481 = arith.index_cast %swap3A_480 : i32 to index
        %swap3A_482 = arith.index_cast %mul3A_219 : i32 to index
        %swap3A_483 = tpu.vector_load %arg8[%swap3A_481, %swap3A_482] {strides = array<i32>} : memref<32x1024xf32, #tpu.memory_space<vmem>>, vector<16xf32>,
        tpu.vector_store %arg8[%swap3A_481, %swap3A_482], %gather3A_479 {strides = array<i32>} : memref<32x1024xf32, #tpu.memory_space<vmem>>, vector<16xf32>,
        %lt3A_484 = arith.constant 0 : i32
        %lt3A_485 = vector.broadcast %lt3A_484 : i32 to vector<16xi32>
        %lt3A_486 = arith.cmpi slt, %get3A_221, %lt3A_485 : vector<16xi32>
        %add3A_487 = arith.constant 16 : i32
        %add3A_488 = vector.broadcast %add3A_487 : i32 to vector<16xi32>
        %add3A_489 = arith.addi %get3A_221, %add3A_488 : vector<16xi32>
        %select_n3A_490 = arith.select %lt3A_486, %add3A_489, %get3A_221 : vector<16xi1>, vector<16xi32>
        %broadcast_in_dim3A_491 = vector.shape_cast %select_n3A_490 : vector<16xi32> to vector<16x1xi32>
        %gather3A_492 = vector.shape_cast %broadcast_in_dim3A_491 : vector<16x1xi32> to vector<16xi32>
        %gather3A_493 = tpu.dynamic_gather %get3A_101[%gather3A_492] in [0] : vector<16xf32>, vector<16xi32> -> vector<16xf32>
        %swap3A_494 = arith.constant 19 : i32
        %swap3A_495 = arith.index_cast %swap3A_494 : i32 to index
        %swap3A_496 = arith.index_cast %mul3A_219 : i32 to index
        %swap3A_497 = tpu.vector_load %arg8[%swap3A_495, %swap3A_496] {strides = array<i32>} : memref<32x1024xf32, #tpu.memory_space<vmem>>, vector<16xf32>,
        tpu.vector_store %arg8[%swap3A_495, %swap3A_496], %gather3A_493 {strides = array<i32>} : memref<32x1024xf32, #tpu.memory_space<vmem>>, vector<16xf32>,
        %lt3A_498 = arith.constant 0 : i32
        %lt3A_499 = vector.broadcast %lt3A_498 : i32 to vector<16xi32>
        %lt3A_500 = arith.cmpi slt, %get3A_221, %lt3A_499 : vector<16xi32>
        %add3A_501 = arith.constant 16 : i32
        %add3A_502 = vector.broadcast %add3A_501 : i32 to vector<16xi32>
        %add3A_503 = arith.addi %get3A_221, %add3A_502 : vector<16xi32>
        %select_n3A_504 = arith.select %lt3A_500, %add3A_503, %get3A_221 : vector<16xi1>, vector<16xi32>
        %broadcast_in_dim3A_505 = vector.shape_cast %select_n3A_504 : vector<16xi32> to vector<16x1xi32>
        %gather3A_506 = vector.shape_cast %broadcast_in_dim3A_505 : vector<16x1xi32> to vector<16xi32>
        %gather3A_507 = tpu.dynamic_gather %get3A_105[%gather3A_506] in [0] : vector<16xf32>, vector<16xi32> -> vector<16xf32>
        %swap3A_508 = arith.constant 20 : i32
        %swap3A_509 = arith.index_cast %swap3A_508 : i32 to index
        %swap3A_510 = arith.index_cast %mul3A_219 : i32 to index
        %swap3A_511 = tpu.vector_load %arg8[%swap3A_509, %swap3A_510] {strides = array<i32>} : memref<32x1024xf32, #tpu.memory_space<vmem>>, vector<16xf32>,
        tpu.vector_store %arg8[%swap3A_509, %swap3A_510], %gather3A_507 {strides = array<i32>} : memref<32x1024xf32, #tpu.memory_space<vmem>>, vector<16xf32>,
        %lt3A_512 = arith.constant 0 : i32
        %lt3A_513 = vector.broadcast %lt3A_512 : i32 to vector<16xi32>
        %lt3A_514 = arith.cmpi slt, %get3A_221, %lt3A_513 : vector<16xi32>
        %add3A_515 = arith.constant 16 : i32
        %add3A_516 = vector.broadcast %add3A_515 : i32 to vector<16xi32>
        %add3A_517 = arith.addi %get3A_221, %add3A_516 : vector<16xi32>
        %select_n3A_518 = arith.select %lt3A_514, %add3A_517, %get3A_221 : vector<16xi1>, vector<16xi32>
        %broadcast_in_dim3A_519 = vector.shape_cast %select_n3A_518 : vector<16xi32> to vector<16x1xi32>
        %gather3A_520 = vector.shape_cast %broadcast_in_dim3A_519 : vector<16x1xi32> to vector<16xi32>
        %gather3A_521 = tpu.dynamic_gather %get3A_109[%gather3A_520] in [0] : vector<16xf32>, vector<16xi32> -> vector<16xf32>
        %swap3A_522 = arith.constant 21 : i32
        %swap3A_523 = arith.index_cast %swap3A_522 : i32 to index
        %swap3A_524 = arith.index_cast %mul3A_219 : i32 to index
        %swap3A_525 = tpu.vector_load %arg8[%swap3A_523, %swap3A_524] {strides = array<i32>} : memref<32x1024xf32, #tpu.memory_space<vmem>>, vector<16xf32>,
        tpu.vector_store %arg8[%swap3A_523, %swap3A_524], %gather3A_521 {strides = array<i32>} : memref<32x1024xf32, #tpu.memory_space<vmem>>, vector<16xf32>,
        %lt3A_526 = arith.constant 0 : i32
        %lt3A_527 = vector.broadcast %lt3A_526 : i32 to vector<16xi32>
        %lt3A_528 = arith.cmpi slt, %get3A_221, %lt3A_527 : vector<16xi32>
        %add3A_529 = arith.constant 16 : i32
        %add3A_530 = vector.broadcast %add3A_529 : i32 to vector<16xi32>
        %add3A_531 = arith.addi %get3A_221, %add3A_530 : vector<16xi32>
        %select_n3A_532 = arith.select %lt3A_528, %add3A_531, %get3A_221 : vector<16xi1>, vector<16xi32>
        %broadcast_in_dim3A_533 = vector.shape_cast %select_n3A_532 : vector<16xi32> to vector<16x1xi32>
        %gather3A_534 = vector.shape_cast %broadcast_in_dim3A_533 : vector<16x1xi32> to vector<16xi32>
        %gather3A_535 = tpu.dynamic_gather %get3A_113[%gather3A_534] in [0] : vector<16xf32>, vector<16xi32> -> vector<16xf32>
        %swap3A_536 = arith.constant 22 : i32
        %swap3A_537 = arith.index_cast %swap3A_536 : i32 to index
        %swap3A_538 = arith.index_cast %mul3A_219 : i32 to index
        %swap3A_539 = tpu.vector_load %arg8[%swap3A_537, %swap3A_538] {strides = array<i32>} : memref<32x1024xf32, #tpu.memory_space<vmem>>, vector<16xf32>,
        tpu.vector_store %arg8[%swap3A_537, %swap3A_538], %gather3A_535 {strides = array<i32>} : memref<32x1024xf32, #tpu.memory_space<vmem>>, vector<16xf32>,
        %lt3A_540 = arith.constant 0 : i32
        %lt3A_541 = vector.broadcast %lt3A_540 : i32 to vector<16xi32>
        %lt3A_542 = arith.cmpi slt, %get3A_221, %lt3A_541 : vector<16xi32>
        %add3A_543 = arith.constant 16 : i32
        %add3A_544 = vector.broadcast %add3A_543 : i32 to vector<16xi32>
        %add3A_545 = arith.addi %get3A_221, %add3A_544 : vector<16xi32>
        %select_n3A_546 = arith.select %lt3A_542, %add3A_545, %get3A_221 : vector<16xi1>, vector<16xi32>
        %broadcast_in_dim3A_547 = vector.shape_cast %select_n3A_546 : vector<16xi32> to vector<16x1xi32>
        %gather3A_548 = vector.shape_cast %broadcast_in_dim3A_547 : vector<16x1xi32> to vector<16xi32>
        %gather3A_549 = tpu.dynamic_gather %get3A_117[%gather3A_548] in [0] : vector<16xf32>, vector<16xi32> -> vector<16xf32>
        %swap3A_550 = arith.constant 23 : i32
        %swap3A_551 = arith.index_cast %swap3A_550 : i32 to index
        %swap3A_552 = arith.index_cast %mul3A_219 : i32 to index
        %swap3A_553 = tpu.vector_load %arg8[%swap3A_551, %swap3A_552] {strides = array<i32>} : memref<32x1024xf32, #tpu.memory_space<vmem>>, vector<16xf32>,
        tpu.vector_store %arg8[%swap3A_551, %swap3A_552], %gather3A_549 {strides = array<i32>} : memref<32x1024xf32, #tpu.memory_space<vmem>>, vector<16xf32>,
        %lt3A_554 = arith.constant 0 : i32
        %lt3A_555 = vector.broadcast %lt3A_554 : i32 to vector<16xi32>
        %lt3A_556 = arith.cmpi slt, %get3A_221, %lt3A_555 : vector<16xi32>
        %add3A_557 = arith.constant 16 : i32
        %add3A_558 = vector.broadcast %add3A_557 : i32 to vector<16xi32>
        %add3A_559 = arith.addi %get3A_221, %add3A_558 : vector<16xi32>
        %select_n3A_560 = arith.select %lt3A_556, %add3A_559, %get3A_221 : vector<16xi1>, vector<16xi32>
        %broadcast_in_dim3A_561 = vector.shape_cast %select_n3A_560 : vector<16xi32> to vector<16x1xi32>
        %gather3A_562 = vector.shape_cast %broadcast_in_dim3A_561 : vector<16x1xi32> to vector<16xi32>
        %gather3A_563 = tpu.dynamic_gather %get3A_121[%gather3A_562] in [0] : vector<16xf32>, vector<16xi32> -> vector<16xf32>
        %swap3A_564 = arith.constant 24 : i32
        %swap3A_565 = arith.index_cast %swap3A_564 : i32 to index
        %swap3A_566 = arith.index_cast %mul3A_219 : i32 to index
        %swap3A_567 = tpu.vector_load %arg8[%swap3A_565, %swap3A_566] {strides = array<i32>} : memref<32x1024xf32, #tpu.memory_space<vmem>>, vector<16xf32>,
        tpu.vector_store %arg8[%swap3A_565, %swap3A_566], %gather3A_563 {strides = array<i32>} : memref<32x1024xf32, #tpu.memory_space<vmem>>, vector<16xf32>,
        %lt3A_568 = arith.constant 0 : i32
        %lt3A_569 = vector.broadcast %lt3A_568 : i32 to vector<16xi32>
        %lt3A_570 = arith.cmpi slt, %get3A_221, %lt3A_569 : vector<16xi32>
        %add3A_571 = arith.constant 16 : i32
        %add3A_572 = vector.broadcast %add3A_571 : i32 to vector<16xi32>
        %add3A_573 = arith.addi %get3A_221, %add3A_572 : vector<16xi32>
        %select_n3A_574 = arith.select %lt3A_570, %add3A_573, %get3A_221 : vector<16xi1>, vector<16xi32>
        %broadcast_in_dim3A_575 = vector.shape_cast %select_n3A_574 : vector<16xi32> to vector<16x1xi32>
        %gather3A_576 = vector.shape_cast %broadcast_in_dim3A_575 : vector<16x1xi32> to vector<16xi32>
        %gather3A_577 = tpu.dynamic_gather %get3A_125[%gather3A_576] in [0] : vector<16xf32>, vector<16xi32> -> vector<16xf32>
        %swap3A_578 = arith.constant 25 : i32
        %swap3A_579 = arith.index_cast %swap3A_578 : i32 to index
        %swap3A_580 = arith.index_cast %mul3A_219 : i32 to index
        %swap3A_581 = tpu.vector_load %arg8[%swap3A_579, %swap3A_580] {strides = array<i32>} : memref<32x1024xf32, #tpu.memory_space<vmem>>, vector<16xf32>,
        tpu.vector_store %arg8[%swap3A_579, %swap3A_580], %gather3A_577 {strides = array<i32>} : memref<32x1024xf32, #tpu.memory_space<vmem>>, vector<16xf32>,
        %lt3A_582 = arith.constant 0 : i32
        %lt3A_583 = vector.broadcast %lt3A_582 : i32 to vector<16xi32>
        %lt3A_584 = arith.cmpi slt, %get3A_221, %lt3A_583 : vector<16xi32>
        %add3A_585 = arith.constant 16 : i32
        %add3A_586 = vector.broadcast %add3A_585 : i32 to vector<16xi32>
        %add3A_587 = arith.addi %get3A_221, %add3A_586 : vector<16xi32>
        %select_n3A_588 = arith.select %lt3A_584, %add3A_587, %get3A_221 : vector<16xi1>, vector<16xi32>
        %broadcast_in_dim3A_589 = vector.shape_cast %select_n3A_588 : vector<16xi32> to vector<16x1xi32>
        %gather3A_590 = vector.shape_cast %broadcast_in_dim3A_589 : vector<16x1xi32> to vector<16xi32>
        %gather3A_591 = tpu.dynamic_gather %get3A_129[%gather3A_590] in [0] : vector<16xf32>, vector<16xi32> -> vector<16xf32>
        %swap3A_592 = arith.constant 26 : i32
        %swap3A_593 = arith.index_cast %swap3A_592 : i32 to index
        %swap3A_594 = arith.index_cast %mul3A_219 : i32 to index
        %swap3A_595 = tpu.vector_load %arg8[%swap3A_593, %swap3A_594] {strides = array<i32>} : memref<32x1024xf32, #tpu.memory_space<vmem>>, vector<16xf32>,
        tpu.vector_store %arg8[%swap3A_593, %swap3A_594], %gather3A_591 {strides = array<i32>} : memref<32x1024xf32, #tpu.memory_space<vmem>>, vector<16xf32>,
        %lt3A_596 = arith.constant 0 : i32
        %lt3A_597 = vector.broadcast %lt3A_596 : i32 to vector<16xi32>
        %lt3A_598 = arith.cmpi slt, %get3A_221, %lt3A_597 : vector<16xi32>
        %add3A_599 = arith.constant 16 : i32
        %add3A_600 = vector.broadcast %add3A_599 : i32 to vector<16xi32>
        %add3A_601 = arith.addi %get3A_221, %add3A_600 : vector<16xi32>
        %select_n3A_602 = arith.select %lt3A_598, %add3A_601, %get3A_221 : vector<16xi1>, vector<16xi32>
        %broadcast_in_dim3A_603 = vector.shape_cast %select_n3A_602 : vector<16xi32> to vector<16x1xi32>
        %gather3A_604 = vector.shape_cast %broadcast_in_dim3A_603 : vector<16x1xi32> to vector<16xi32>
        %gather3A_605 = tpu.dynamic_gather %get3A_133[%gather3A_604] in [0] : vector<16xf32>, vector<16xi32> -> vector<16xf32>
        %swap3A_606 = arith.constant 27 : i32
        %swap3A_607 = arith.index_cast %swap3A_606 : i32 to index
        %swap3A_608 = arith.index_cast %mul3A_219 : i32 to index
        %swap3A_609 = tpu.vector_load %arg8[%swap3A_607, %swap3A_608] {strides = array<i32>} : memref<32x1024xf32, #tpu.memory_space<vmem>>, vector<16xf32>,
        tpu.vector_store %arg8[%swap3A_607, %swap3A_608], %gather3A_605 {strides = array<i32>} : memref<32x1024xf32, #tpu.memory_space<vmem>>, vector<16xf32>,
        %lt3A_610 = arith.constant 0 : i32
        %lt3A_611 = vector.broadcast %lt3A_610 : i32 to vector<16xi32>
        %lt3A_612 = arith.cmpi slt, %get3A_221, %lt3A_611 : vector<16xi32>
        %add3A_613 = arith.constant 16 : i32
        %add3A_614 = vector.broadcast %add3A_613 : i32 to vector<16xi32>
        %add3A_615 = arith.addi %get3A_221, %add3A_614 : vector<16xi32>
        %select_n3A_616 = arith.select %lt3A_612, %add3A_615, %get3A_221 : vector<16xi1>, vector<16xi32>
        %broadcast_in_dim3A_617 = vector.shape_cast %select_n3A_616 : vector<16xi32> to vector<16x1xi32>
        %gather3A_618 = vector.shape_cast %broadcast_in_dim3A_617 : vector<16x1xi32> to vector<16xi32>
        %gather3A_619 = tpu.dynamic_gather %get3A_137[%gather3A_618] in [0] : vector<16xf32>, vector<16xi32> -> vector<16xf32>
        %swap3A_620 = arith.constant 28 : i32
        %swap3A_621 = arith.index_cast %swap3A_620 : i32 to index
        %swap3A_622 = arith.index_cast %mul3A_219 : i32 to index
        %swap3A_623 = tpu.vector_load %arg8[%swap3A_621, %swap3A_622] {strides = array<i32>} : memref<32x1024xf32, #tpu.memory_space<vmem>>, vector<16xf32>,
        tpu.vector_store %arg8[%swap3A_621, %swap3A_622], %gather3A_619 {strides = array<i32>} : memref<32x1024xf32, #tpu.memory_space<vmem>>, vector<16xf32>,
        %lt3A_624 = arith.constant 0 : i32
        %lt3A_625 = vector.broadcast %lt3A_624 : i32 to vector<16xi32>
        %lt3A_626 = arith.cmpi slt, %get3A_221, %lt3A_625 : vector<16xi32>
        %add3A_627 = arith.constant 16 : i32
        %add3A_628 = vector.broadcast %add3A_627 : i32 to vector<16xi32>
        %add3A_629 = arith.addi %get3A_221, %add3A_628 : vector<16xi32>
        %select_n3A_630 = arith.select %lt3A_626, %add3A_629, %get3A_221 : vector<16xi1>, vector<16xi32>
        %broadcast_in_dim3A_631 = vector.shape_cast %select_n3A_630 : vector<16xi32> to vector<16x1xi32>
        %gather3A_632 = vector.shape_cast %broadcast_in_dim3A_631 : vector<16x1xi32> to vector<16xi32>
        %gather3A_633 = tpu.dynamic_gather %get3A_141[%gather3A_632] in [0] : vector<16xf32>, vector<16xi32> -> vector<16xf32>
        %swap3A_634 = arith.constant 29 : i32
        %swap3A_635 = arith.index_cast %swap3A_634 : i32 to index
        %swap3A_636 = arith.index_cast %mul3A_219 : i32 to index
        %swap3A_637 = tpu.vector_load %arg8[%swap3A_635, %swap3A_636] {strides = array<i32>} : memref<32x1024xf32, #tpu.memory_space<vmem>>, vector<16xf32>,
        tpu.vector_store %arg8[%swap3A_635, %swap3A_636], %gather3A_633 {strides = array<i32>} : memref<32x1024xf32, #tpu.memory_space<vmem>>, vector<16xf32>,
        %lt3A_638 = arith.constant 0 : i32
        %lt3A_639 = vector.broadcast %lt3A_638 : i32 to vector<16xi32>
        %lt3A_640 = arith.cmpi slt, %get3A_221, %lt3A_639 : vector<16xi32>
        %add3A_641 = arith.constant 16 : i32
        %add3A_642 = vector.broadcast %add3A_641 : i32 to vector<16xi32>
        %add3A_643 = arith.addi %get3A_221, %add3A_642 : vector<16xi32>
        %select_n3A_644 = arith.select %lt3A_640, %add3A_643, %get3A_221 : vector<16xi1>, vector<16xi32>
        %broadcast_in_dim3A_645 = vector.shape_cast %select_n3A_644 : vector<16xi32> to vector<16x1xi32>
        %gather3A_646 = vector.shape_cast %broadcast_in_dim3A_645 : vector<16x1xi32> to vector<16xi32>
        %gather3A_647 = tpu.dynamic_gather %get3A_145[%gather3A_646] in [0] : vector<16xf32>, vector<16xi32> -> vector<16xf32>
        %swap3A_648 = arith.constant 30 : i32
        %swap3A_649 = arith.index_cast %swap3A_648 : i32 to index
        %swap3A_650 = arith.index_cast %mul3A_219 : i32 to index
        %swap3A_651 = tpu.vector_load %arg8[%swap3A_649, %swap3A_650] {strides = array<i32>} : memref<32x1024xf32, #tpu.memory_space<vmem>>, vector<16xf32>,
        tpu.vector_store %arg8[%swap3A_649, %swap3A_650], %gather3A_647 {strides = array<i32>} : memref<32x1024xf32, #tpu.memory_space<vmem>>, vector<16xf32>,
        %lt3A_652 = arith.constant 0 : i32
        %lt3A_653 = vector.broadcast %lt3A_652 : i32 to vector<16xi32>
        %lt3A_654 = arith.cmpi slt, %get3A_221, %lt3A_653 : vector<16xi32>
        %add3A_655 = arith.constant 16 : i32
        %add3A_656 = vector.broadcast %add3A_655 : i32 to vector<16xi32>
        %add3A_657 = arith.addi %get3A_221, %add3A_656 : vector<16xi32>
        %select_n3A_658 = arith.select %lt3A_654, %add3A_657, %get3A_221 : vector<16xi1>, vector<16xi32>
        %broadcast_in_dim3A_659 = vector.shape_cast %select_n3A_658 : vector<16xi32> to vector<16x1xi32>
        %gather3A_660 = vector.shape_cast %broadcast_in_dim3A_659 : vector<16x1xi32> to vector<16xi32>
        %gather3A_661 = tpu.dynamic_gather %get3A_149[%gather3A_660] in [0] : vector<16xf32>, vector<16xi32> -> vector<16xf32>
        %swap3A_662 = arith.constant 31 : i32
        %swap3A_663 = arith.index_cast %swap3A_662 : i32 to index
        %swap3A_664 = arith.index_cast %mul3A_219 : i32 to index
        %swap3A_665 = tpu.vector_load %arg8[%swap3A_663, %swap3A_664] {strides = array<i32>} : memref<32x1024xf32, #tpu.memory_space<vmem>>, vector<16xf32>,
        tpu.vector_store %arg8[%swap3A_663, %swap3A_664], %gather3A_661 {strides = array<i32>} : memref<32x1024xf32, #tpu.memory_space<vmem>>, vector<16xf32>,
      }
      %scan3A_216 = arith.constant 32 : i32
      "tpu.region"() ({
        %run_scoped3A = tpu.sem_alloc : memref<!tpu.dma_semaphore, #tpu.memory_space<semaphore_mem>>
        %dma_start3A_217 = arith.constant 0 : i32
        %dma_start3A_218 = arith.constant 0 : i32
        %dma_start3A_219 = tpu.memref_slice %arg8[%dma_start3A_217, %dma_start3A_218] : memref<32x1024xf32, #tpu.memory_space<vmem>> -> memref<32x512xf32, #tpu.memory_space<vmem>>
        %dma_start3A_220 = arith.constant 0 : i32
        %dma_start3A_221 = arith.constant 1599488 : i32
        %dma_start3A_222 = tpu.memref_slice %arg5[%dma_start3A_220, %dma_start3A_221] : memref<32x1600000xf32, #tpu.memory_space<hbm>> -> memref<32x512xf32, #tpu.memory_space<hbm>>
        %dma_start3A_223 = arith.constant 0 : i32
        %dma_start3A_224 = arith.constant 1599488 : i32
        %dma_start3A_225 = tpu.memref_slice %arg5[%dma_start3A_223, %dma_start3A_224] : memref<32x1600000xf32, #tpu.memory_space<hbm>> -> memref<32x512xf32, #tpu.memory_space<hbm>>
        %dma_start3A_226 = arith.constant 0 : i32
        %dma_start3A_227 = arith.constant 0 : i32
        %dma_start3A_228 = tpu.memref_slice %arg8[%dma_start3A_226, %dma_start3A_227] : memref<32x1024xf32, #tpu.memory_space<vmem>> -> memref<32x512xf32, #tpu.memory_space<vmem>>
        tpu.enqueue_dma source(%dma_start3A_228 : memref<32x512xf32, #tpu.memory_space<vmem>>) target(%dma_start3A_225 : memref<32x512xf32, #tpu.memory_space<hbm>>) target_semaphore(%run_scoped3A : memref<!tpu.dma_semaphore, #tpu.memory_space<semaphore_mem>>)
        %dma_wait3A = arith.constant 0 : i32
        %dma_wait3A_229 = arith.constant 0 : i32
        %dma_wait3A_230 = tpu.memref_slice %arg8[%dma_wait3A, %dma_wait3A_229] : memref<32x1024xf32, #tpu.memory_space<vmem>> -> memref<32x512xf32, #tpu.memory_space<vmem>>
        %dma_wait3A_231 = arith.constant 0 : i32
        %dma_wait3A_232 = arith.constant 1599488 : i32
        %dma_wait3A_233 = tpu.memref_slice %arg5[%dma_wait3A_231, %dma_wait3A_232] : memref<32x1600000xf32, #tpu.memory_space<hbm>> -> memref<32x512xf32, #tpu.memory_space<hbm>>
        %dma_wait3A_234 = arith.constant 0 : i32
        %dma_wait3A_235 = arith.constant 1599488 : i32
        %dma_wait3A_236 = tpu.memref_slice %arg5[%dma_wait3A_234, %dma_wait3A_235] : memref<32x1600000xf32, #tpu.memory_space<hbm>> -> memref<32x512xf32, #tpu.memory_space<hbm>>
        %dma_wait3A_237 = arith.constant 0 : i32
        %dma_wait3A_238 = arith.constant 0 : i32
        %dma_wait3A_239 = tpu.memref_slice %arg8[%dma_wait3A_237, %dma_wait3A_238] : memref<32x1024xf32, #tpu.memory_space<vmem>> -> memref<32x512xf32, #tpu.memory_space<vmem>>
        tpu.wait_dma2 semaphore(%run_scoped3A : memref<!tpu.dma_semaphore, #tpu.memory_space<semaphore_mem>>) src(%dma_wait3A_239 : memref<32x512xf32, #tpu.memory_space<vmem>>) dst(%dma_wait3A_236 : memref<32x512xf32, #tpu.memory_space<hbm>>)
        tpu.yield
      }) : () -> ()
    } else {
    }
    return
  }
}

</mosaic_0001>

<sc_bundles>
// kernel: kernel.3.cloned.1.call-start
scs
__scs_entry_jumppad:
0x0: {  	(pc) =	sbr.rel $0x88, $3  }
0x1: {  	(tag) =	ssettag $0x0;
	lr =	simm.s32 $0x1  }
0x2: {  	[smem:$0x3F9E] =	sst lr;
	_ =	strace $0xD0000000  }
0x3: {  	_ = 	snop  }
0x4: {  	_ = 	snop  }
0x5: {  	_ = 	snop  }
0x6: {  	_ = 	snop  }
0x7: {  	_ = 	snop  }
__scs_overlays_trampoline_lowered:
0x8: {  	[smem:$0x3FAD] =	sst s0  }
0x9: {  	[smem:$0x3FAE] =	sst s1  }
0xa: {  	[smem:$0x3FAF] =	sst s2  }
0xb: {  	[smem:$0x3FB0] =	sst s3  }
0xc: {  	[smem:$0x3FB1] =	sst s4  }
0xd: {  	[smem:$0x3FB2] =	sst s5  }
0xe: {  	[smem:$0x3FB3] =	sst s6  }
0xf: {  	[smem:$0x3FB4] =	sst s7  }
0x10: {  	[smem:$0x3FB5] =	sst s8  }
0x11: {  	[smem:$0x3FB6] =	sst s9;
	s0 =	simm.s32 @!p0 $0x0  }
0x12: {  	s1 =	sld [smem:$0x3F9C];
	s0 =	simm.s32 @p0 $0x1  }
0x13: {  	[smem:$0x3FB7] =	sst s0;
	s0 =	simm.s32 @!p1 $0x0  }
0x14: {  	s2 =	sld [smem:$0x3F9B];
	s0 =	simm.s32 @p1 $0x1  }
0x15: {  	[smem:$0x3FB8] =	sst s0;
	s0 =	simm.s32 @!p2 $0x0  }
0x16: {  	s3 =	sld [smem:$0x3FDB];
	s0 =	simm.s32 @p2 $0x1  }
0x17: {  	s4 =	simm.s32 $0x1BF5;
	[smem:$0x3FBA] =	sst s0  }
0x18: {  	s0 =	sld [smem:$0x3F9D];
	_ =	swait.ge [sflag:s4], $0x0  }
0x19: {  	s7 =	sld [smem:$0x3F9E]  }
0x1a: {  	s8 =	sadd.s32 $0xFFFFE003, lr  }
0x1b: {  	s9 =	sadd.s32 $0xFFFFFEF7, lr;
	s5 =	simm.s32 $0xFFFFFFFF;
	p2 =	slt.u32 s8, $0xFFFFF086  }
0x1c: {  	p1 =	slt.u32 s9, $0xF7A;
	s5 =	simm.s32 @!p2 $0x0  }
0x1d: {  	s5 =	simm.s32 @p1 $0x1;
	p0 =	seq.s32 s7, s2  }
0x1e: {  	s7 =	smul.u32 @!p0 $0xF7A, s2;
	p2 =	seq.s32 @!p0 s5, $0x0  }
0x1f: {  	s9 =	smul.u32 $0xF7A, s1;
	s8 =	simm.s32 @!p0 $0x1BF5;
	p2 =	por !p2, p0  }
0x20: {  	[sflag:s8] =	ssyncset.s32 @!p0 $0xFFFFF086;
	s6 =	sadd.s32 @!p0 s3, s7;
	s7 =	simm.s32 @!p0 $0x108  }
0x21: {  	s3 =	sadd.s32 s3, s9;
	s6 =	sadd.s32 @!p0 $0x88, s6;
	s7 =	simm.s32 @p2 $0x1082  }
0x22: {  	[simem:s7], [sflag:s8] =	dma.local @!p0 [hbm:s6], $0xF7A  }
0x23: {  	s9 =	sor.u32 $0xD0000000, s2;
	s6 =	simm.s32 $0x108;
	_ =	swait.ge @!p0 [sflag:s8], $0x0  }
0x24: {  	s3 =	sadd.s32 $0x88, s3;
	s6 =	simm.s32 @!p1 $0x1082;
	[sflag:s4] =	ssyncset.s32 $0xFFFFF086  }
0x25: {  	[simem:s6], [sflag:s4] =	dma.local [hbm:s3], $0xF7A  }
0x26: {  	[smem:$0x3F9E] =	sst s1;
	(tag) =	ssettag s2;
	_ =	strace s9  }
0x27: {  	s1 =	sld [smem:$0x3FAE]  }
0x28: {  	s2 =	sld [smem:$0x3FAF]  }
0x29: {  	s4 =	sld [smem:$0x3FB1]  }
0x2a: {  	p0 =	seq.s32 s5, $0x0;
	s5 =	sld [smem:$0x3FB2]  }
0x2b: {  	s6 =	sld [smem:$0x3FB3]  }
0x2c: {  	s7 =	sld [smem:$0x3FB4]  }
0x2d: {  	s3 =	simm.s32 $0x108;
	s8 =	sld [smem:$0x3FB5]  }
0x2e: {  	s3 =	simm.s32 @!p0 $0x1082;
	s9 =	sld [smem:$0x3FB6]  }
0x2f: {  	lr =	sadd.s32 s0, s3;
	s0 =	sld [smem:$0x3FAD]  }
0x30: {  	s3 =	sld [smem:$0x3FB0]  }
0x31: {  	[smem:$0x3FB9] =	sst s10  }
0x32: {  	s10 =	sld [smem:$0x3FB7];
	_ =	sdelay $0x3  }
0x33: {  	p0 =	seq.s32 s10, $0x1;
	s10 =	sld [smem:$0x3FB9];
	_ =	sdelay $0x3  }
0x34: {  	[smem:$0x3FB9] =	sst s10  }
0x35: {  	s10 =	sld [smem:$0x3FB8];
	_ =	sdelay $0x3  }
0x36: {  	p1 =	seq.s32 s10, $0x1;
	s10 =	sld [smem:$0x3FB9];
	_ =	sdelay $0x3  }
0x37: {  	[smem:$0x3FB9] =	sst s10  }
0x38: {  	s10 =	sld [smem:$0x3FBA]  }
0x39: {  	_ = 	snop;
	(pc) =	sbr.ind lr, $3  }
0x3a: {  	_ = 	snop  }
0x3b: {  	_ = 	snop  }
0x3c: {  	p2 =	seq.s32 s10, $0x1;
	s10 =	sld [smem:$0x3FB9]  }
0x3d: {  	_ =	shalt  }
0x3e: {  	_ =	shalt  }
0x3f: {  	_ =	shalt  }
0x40: {  	_ =	shalt  }
0x41: {  	_ =	shalt  }
0x42: {  	_ =	shalt  }
0x43: {  	_ =	shalt  }
0x44: {  	_ =	shalt  }
0x45: {  	_ =	shalt  }
0x46: {  	_ =	shalt  }
0x47: {  	_ =	shalt  }
0x48: {  	_ =	shalt  }
0x49: {  	_ =	shalt  }
0x4a: {  	_ =	shalt  }
0x4b: {  	_ =	shalt  }
0x4c: {  	_ =	shalt  }
0x4d: {  	_ =	shalt  }
0x4e: {  	_ =	shalt  }
0x4f: {  	_ =	shalt  }
0x50: {  	_ =	shalt  }
0x51: {  	_ =	shalt  }
0x52: {  	_ =	shalt  }
0x53: {  	_ =	shalt  }
0x54: {  	_ =	shalt  }
0x55: {  	_ =	shalt  }
0x56: {  	_ =	shalt  }
0x57: {  	_ =	shalt  }
0x58: {  	_ =	shalt  }
0x59: {  	_ =	shalt  }
0x5a: {  	_ =	shalt  }
0x5b: {  	_ =	shalt  }
0x5c: {  	_ =	shalt  }
0x5d: {  	_ =	shalt  }
0x5e: {  	_ =	shalt  }
0x5f: {  	_ =	shalt  }
0x60: {  	_ =	shalt  }
0x61: {  	_ =	shalt  }
0x62: {  	_ =	shalt  }
0x63: {  	_ =	shalt  }
0x64: {  	_ =	shalt  }
0x65: {  	_ =	shalt  }
0x66: {  	_ =	shalt  }
0x67: {  	_ =	shalt  }
0x68: {  	_ =	shalt  }
0x69: {  	_ =	shalt  }
0x6a: {  	_ =	shalt  }
0x6b: {  	_ =	shalt  }
0x6c: {  	_ =	shalt  }
0x6d: {  	_ =	shalt  }
0x6e: {  	_ =	shalt  }
0x6f: {  	_ =	shalt  }
0x70: {  	_ =	shalt  }
0x71: {  	_ =	shalt  }
0x72: {  	_ =	shalt  }
0x73: {  	_ =	shalt  }
0x74: {  	_ =	shalt  }
0x75: {  	_ =	shalt  }
0x76: {  	_ =	shalt  }
0x77: {  	_ =	shalt  }
0x78: {  	_ =	shalt  }
0x79: {  	_ =	shalt  }
0x7a: {  	_ =	shalt  }
0x7b: {  	_ =	shalt  }
0x7c: {  	_ =	shalt  }
0x7d: {  	_ =	shalt  }
0x7e: {  	_ =	shalt  }
0x7f: {  	_ =	shalt  }
0x80: {  	_ =	shalt  }
0x81: {  	_ =	shalt  }
0x82: {  	_ =	shalt  }
0x83: {  	_ =	shalt  }
0x84: {  	_ =	shalt  }
0x85: {  	_ =	shalt  }
0x86: {  	_ =	shalt  }
0x87: {  	_ =	shalt  }
.Lfunc_end0:
.L_simem_size_0:
called_computation_lowered:
.L_overlay_start_0:
0x88: {  	s2 =	sld [smem:$0x3FD9]  }
0x89: {  	s3 =	sld [smem:$0x3FFE];
	_ =	sdelay $0x1  }
0x8a: {  	s1 =	srdreg.scid  }
0x8b: {  	s0 =	sand.u32 $0x1, s1  }
0x8c: {  	s17 =	sshll.u32 s0, $0xA;
	s2 =	sadd.s32 s3, s2  }
0x8d: {  	s2 =	sadd.s32 s2, s17  }
0x8e: {  	[smem:$0x3FC5] =	sst s2  }
0x8f: {  	_ = 	snop  }
0x90: {  	s2 =	sld [smem:$0x3FD0];
	(tm) =	ssettm $0x1  }
0x91: {  	s18 =	sld [smem:$0x3FFB];
	_ =	sdelay $0x3  }
0x92: {  	_ =	strace s18  }
0x93: {  	s3 =	sld [smem:$0x3FFC];
	_ =	sdelay $0x3  }
0x94: {  	_ =	strace s3  }
0x95: {  	s3 =	sld [smem:$0x3FFD];
	_ =	sdelay $0x3  }
0x96: {  	_ =	strace s3  }
0x97: {  	_ =	strace $0x8FFFFFFF  }
0x98: {  	s19 =	sld [smem:$0x3FDB];
	_ =	sdelay $0x1  }
0x99: {  	s4 =	simm.s32 $_scs_section_size  }
0x9a: {  	s5 =	simm.s32 $_size__tile_overlayer_lowered;
	s6 =	simm.s32 $_tile_overlayer_lowered  }
0x9b: {  	s22 =	simm.s32 $0x1BFF;
	s21 =	sshll.u32 s6, $0x1;
	s3 =	sadd.s32 s4, s19  }
0x9c: {  	s7 =	simm.s32 $0x0;
	s20 =	sshll.u32 s5, $0x1;
	s5 =	sadd.s32 s21, s3  }
0x9d: {  	[timem:s7], [sflag:s22] =	dma.local [hbm:s5], s20  }
0x9e: {  	_ =	swait.ge [sflag:s22], s20  }
0x9f: {  	s4 =	ssub.s32 $0x0, s20;
	[sflag:s22] =	ssyncset.done $0x0  }
0xa0: {  	[sflag:s22] =	ssyncadd.s32 s4;
	_ =	sdelay $0x1  }
0xa1: {  	s23 =	simm.s32 $0x1B8B  }
0xa2: {  	_ =	swait.ge [sflag:s23], $0x1  }
0xa3: {  	[sflag:s23] =	ssyncset.done $0x0  }
0xa4: {  	s25 =	simm.s32 $0x1B8E;
	s24 =	sld [smem:$0x3FFE];
	[sflag:s23] =	ssyncadd.s32 $0xFFFFFFFF  }
0xa5: {  	s26 =	simm.s32 $execute0_lowered;
	[smem:$0x3FD2] =	sst s25  }
0xa6: {  	s5 =	sshll.u32 s26, $0x1;
	_ =	strace $0x80000046;
	[dreg:$0x1] =	wrdreg $0xFFFFFFFF  }
0xa7: {  	s28 =	simm.s32 $_size_execute0_lowered;
	s3 =	sadd.s32 s3, s5;
	[dreg:$0x0] =	wrdreg $0x0  }
0xa8: {  	s5 =	sshll.u32 s28, $0x1;
	[dreg:$0x2] =	wrdreg s3  }
0xa9: {  	[dreg:$0x3] =	wrdreg s5  }
0xaa: {  	[dreg:$0x4] =	wrdreg $0xC0  }
0xab: {  	_ =	task [dreg:s7], $0x5FFFF  }
0xac: {  	[dreg:$0x1] =	wrdreg $0xFFFFFFFF  }
0xad: {  	[dreg:$0x0] =	wrdreg $0x60  }
0xae: {  	[dreg:$0x2] =	wrdreg s24  }
0xaf: {  	[dreg:$0x3] =	wrdreg s2  }
0xb0: {  	[dreg:$0x4] =	wrdreg $0x9  }
0xb1: {  	_ =	task.clear_ibuf [dreg:s7], $0x5FFFF;
	_ =	strace $0x90000046  }
0xb2: {  	s29 =	simm.s32 $0x9;
	_ =	strace $0x80000048  }
0xb3: {  	_ =	swait.ge [sflag:s29], $0x1  }
0xb4: {  	[sflag:s29] =	ssyncadd.s32 $0xFFFFFFFF  }
0xb5: {  	_ =	strace $0x90000048  }
0xb6: {  	_ =	sfence  }
0xb7: {  	s30 =	sld [smem:$0x0];
	_ =	sdelay $0x2  }
0xb8: {  	s31 =	sshll.u32 s1, $0xD;
	s1 =	sshrl.u32 s1, $0x2  }
0xb9: {  	s3 =	sand.u32 $0x4000, s31;
	s1 =	sadd.s32 s1, s30  }
0xba: {  	s0 =	sor.u32 s3, s0;
	s1 =	sshll.u32 s1, $0x11  }
0xbb: {  	s0 =	sor.u32 s1, s0  }
0xbc: {  	s0 =	sadd.s32 $0x8F2B, s0  }
0xbd: {  	[sflag:s0] =	ssyncadd.remote.s32 $0x1  }
0xbe: {  	_ =	sfence.sel $0xFFFF  }
0xbf: {  	[dreg:$0x0] =	wrdreg $0xFFFFFFFF;
	(pc) =	sbr.abs _section_cstart, $3  }
0xc0: {  	[dreg:$0x1] =	wrdreg $0xFFFFFFFF  }
0xc1: {  	_ =	task.clear_ibuf [dreg:s7], $0x2FFFF;
	_ =	strace $0x9FFFFFFF  }
0xc2: {  	(tm) =	ssettm $0x7FFFFFFF  }
0xc3: {  	_ =	shalt  }
tec
execute0_lowered:
.L_overlay_start_1:
0x0: {  	(tag) =	ssettag $0x1  }
0x1: {  	s4 =	rddreg [dreg:$0x0]  }
0x2: {  	s8 =	rddreg [dreg:$0x1];
	s3 =	srdreg.scid  }
0x3: {  	s1 =	stileid.u32;
	s2 =	simm.s32 $0x0;
	s12 =	simm.s32 $0x2  }
0x4: {  	s13 =	simm.s32 $0x2000;
	s14 =	simm.s32 $0xC35000;
	s15 =	simm.s32 $0x8800  }
0x5: {  	s18 =	simm.s32 $0x4800;
	s19 =	simm.s32 $0x6800;
	s20 =	simm.s32 $0x1  }
0x6: {  	s21 =	simm.s32 $0x0;
	s5 =	sand.u32 $0x1, s3;
	s30 =	sshll.u32 s1, $0x1  }
0x7: {  	[smem:$0x7FF] =	sst s2;
	s16 =	sor.u32 s5, s30;
	s5 =	ssub.s32 $0x2, s5  }
0x8: {  	_ =	strace $0x80000047;
	s3 =	sshll.u32 s16, $0x7;
	s7 =	sshrl.u32 s5, $0x1  }
0x9: {  	s9 =	ssub.s32 $0x639, s16;
	s31 =	sshll.u32 s16, $0xA;
	p2 =	sne.s32 s16, $0x1F  }
0xa: {  	s16 =	simm.s32 $0x800;
	s6 =	sadd.s32 s3, s4;
	s3 =	sadd.s32 $0x800, s4  }
.Ltmp0:
0xb: {  	s4 =	sadd.s32 $0x31800, s4;
	s10 =	ssub.s32 s5, s7;
	(pc) =	sbr.rel .LBB2_1-.Ltmp0, $4  }
0xc: {  	s5 =	sshrl.u32 s9, $0x5;
	s7 =	sadd.s32 s8, s31;
	s17 =	sand.u32 $0x20, s9  }
0xd: {  	s8 =	sadd.s32 $0x186800, s8;
	s6 =	sadd.s32 $0xA00, s6;
	s11 =	sand.u32 $0x1, s5  }
0xe: {  	s9 =	smax.u32 s10, $0x1;
	s10 =	simm.s32 $0x10A00;
	p1 =	sne.s32 s17, $0x0  }
0xf: {  	s17 =	simm.s32 $0x2800;
	p0 =	seq.s32 s11, $0x1;
	s11 =	simm.s32 $0x5  }
.LBB2_16:
0x10: {  	s21 =	sadd.s32 $0x1, s21  }
0x11: {  	p3 =	sne.s32 s21, s9  }
.Ltmp1:
0x12: {  	_ = 	snop;
	(pc) =	sbr.rel @!p3 .LBB2_17-.Ltmp1, $1  }
0x13: {  	_ =	sdelay $0x3  }
.LBB2_1:
0x14: {  	[tilespmem:s10], [sflag:$0x5] =	stream.linear.gather [hbm4b:s4+s2], $0x1000, $0x38;
	[tilespmem:$0x11A00] =	vst v63  }
0x15: {  	_ =	swait.ge [sflag:s11], $0x1000  }
0x16: {  	[sflag:s11] =	ssyncset.done $0x0  }
0x17: {  	[sflag:s11] =	ssyncadd.s32 $0xFFFFF000  }
0x18: {  	v18 =	vld [tilespmem:$0x10A00]  }
0x19: {  	v19 =	vld [tilespmem:$0x10A80]  }
0x1a: {  	v21 =	vld [tilespmem:$0x10B00]  }
0x1b: {  	v23 =	vld [tilespmem:$0x10B80]  }
0x1c: {  	v24 =	vld [tilespmem:$0x10C00]  }
0x1d: {  	v25 =	vld [tilespmem:$0x10C80]  }
0x1e: {  	v27 =	vld [tilespmem:$0x10D00]  }
0x1f: {  	v20 =	vld [tilespmem:$0x10D80]  }
0x20: {  	v16 =	vld [tilespmem:$0x10E00]  }
0x21: {  	v12 =	vld [tilespmem:$0x10E80]  }
0x22: {  	v15 =	vld [tilespmem:$0x10F00]  }
0x23: {  	v0 =	vld [tilespmem:$0x10F80]  }
0x24: {  	v1 =	vld [tilespmem:$0x11000]  }
0x25: {  	v2 =	vld [tilespmem:$0x11080]  }
0x26: {  	v3 =	vld [tilespmem:$0x11100]  }
0x27: {  	v4 =	vld [tilespmem:$0x11180]  }
0x28: {  	v5 =	vld [tilespmem:$0x11200]  }
0x29: {  	v6 =	vld [tilespmem:$0x11280]  }
0x2a: {  	v7 =	vld [tilespmem:$0x11300]  }
0x2b: {  	v8 =	vld [tilespmem:$0x11380]  }
0x2c: {  	v9 =	vld [tilespmem:$0x11400]  }
0x2d: {  	v10 =	vld [tilespmem:$0x11480]  }
0x2e: {  	v11 =	vld [tilespmem:$0x11500]  }
0x2f: {  	v13 =	vld [tilespmem:$0x11580]  }
0x30: {  	v14 =	vld [tilespmem:$0x11600]  }
0x31: {  	v17 =	vld [tilespmem:$0x11680]  }
0x32: {  	v22 =	vld [tilespmem:$0x11700]  }
.Ltmp2:
0x33: {  	v26 =	vld [tilespmem:$0x11780];
	(pc) =	sbr.rel .LBB2_2-.Ltmp2, $4  }
0x34: {  	v28 =	vld [tilespmem:$0x11800]  }
0x35: {  	v29 =	vld [tilespmem:$0x11880]  }
0x36: {  	s22 =	simm.s32 $0x0;
	v30 =	vld [tilespmem:$0x11900]  }
0x37: {  	v31 =	vld [tilespmem:$0x11980];
	[tilespmem:s2], [sflag:$0x1] =	stream.linear.gather [hbm4b:s6+s2], $0x400, $0x38  }
.LBB2_6:
0x38: {  	[tilespmem:s24+$0x900] =	vst v36  }
0x39: {  	[tilespmem:s24+$0x880] =	vst v37  }
0x3a: {  	[tilespmem:s24+$0xA00] =	vst v33  }
0x3b: {  	[tilespmem:s24+$0x980] =	vst v35;
	v39 =	vperm.xlane v20, v32  }
0x3c: {  	[tilespmem:s24+$0xA80] =	vst v34;
	s0 =	sor.u32 $0x380, s26;
	v40 =	vperm.xlane v16, v32  }
0x3d: {  	v41 =	vperm.xlane v31, v32;
	[tilespmem:s0+$0x800] =	vst v39  }
0x3e: {  	v42 =	vperm.xlane v15, v32;
	[tilespmem:s24+$0x2800] =	vst v40  }
0x3f: {  	v43 =	vperm.xlane v30, v32;
	[tilespmem:s24+$0x6B80] =	vst v41  }
0x40: {  	v44 =	vperm.xlane v12, v32;
	[tilespmem:s24+$0x2900] =	vst v42  }
0x41: {  	v45 =	vperm.xlane v29, v32;
	[tilespmem:s24+$0x6B00] =	vst v43  }
0x42: {  	v46 =	vperm.xlane v28, v32;
	[tilespmem:s24+$0x2880] =	vst v44  }
0x43: {  	v47 =	vperm.xlane v26, v32;
	[tilespmem:s24+$0x6A80] =	vst v45  }
0x44: {  	v48 =	vperm.xlane v22, v32;
	[tilespmem:s24+$0x6A00] =	vst v46  }
0x45: {  	v49 =	vperm.xlane v17, v32;
	[tilespmem:s24+$0x6980] =	vst v47  }
0x46: {  	v50 =	vperm.xlane v14, v32;
	[tilespmem:s24+$0x6900] =	vst v48  }
0x47: {  	v51 =	vperm.xlane v13, v32;
	[tilespmem:s24+$0x6880] =	vst v49  }
0x48: {  	v52 =	vperm.xlane v11, v32;
	[tilespmem:s24+$0x6800] =	vst v50  }
0x49: {  	v53 =	vperm.xlane v10, v32;
	[tilespmem:s24+$0x4B80] =	vst v51  }
0x4a: {  	v54 =	vperm.xlane v9, v32;
	[tilespmem:s24+$0x4B00] =	vst v52  }
0x4b: {  	v55 =	vperm.xlane v8, v32;
	[tilespmem:s24+$0x4A80] =	vst v53  }
0x4c: {  	v56 =	vperm.xlane v7, v32;
	[tilespmem:s24+$0x4A00] =	vst v54  }
0x4d: {  	v57 =	vperm.xlane v6, v32;
	[tilespmem:s24+$0x4980] =	vst v55  }
0x4e: {  	v58 =	vperm.xlane v5, v32;
	[tilespmem:s24+$0x4900] =	vst v56  }
0x4f: {  	v59 =	vperm.xlane v4, v32;
	[tilespmem:s24+$0x4880] =	vst v57  }
0x50: {  	v60 =	vperm.xlane v3, v32;
	[tilespmem:s24+$0x4800] =	vst v58  }
0x51: {  	v61 =	vperm.xlane v2, v32;
	[tilespmem:s24+$0x2B80] =	vst v59  }
0x52: {  	v62 =	vperm.xlane v1, v32;
	[tilespmem:s24+$0x2B00] =	vst v60  }
0x53: {  	v63 =	vperm.xlane v0, v32;
	[tilespmem:s24+$0x2A80] =	vst v61  }
0x54: {  	s31 =	sshll.u32 s23, $0xF;
	[tilespmem:s24+$0x2A00] =	vst v62  }
0x55: {  	s0 =	sadd.s32 s31, s7;
	[tilespmem:s24+$0x2980] =	vst v63  }
0x56: {  	[hbm4b:s0+s13] =	stream.strided.scatter [tilespmem:s16], [sflag:$0x3], $0x8000, s14, s13, $0x38;
	[tilespmem:$0x11A00] =	vst v63  }
.LBB2_11:
0x57: {  	p3 =	sne.s32 s22, $0x31  }
.Ltmp3:
0x58: {  	_ = 	snop;
	(pc) =	sbr.rel @!p3 .LBB2_12-.Ltmp3, $1  }
0x59: {  	_ =	sdelay $0x3  }
.LBB2_2:
0x5a: {  	s31 =	sand.u32 $0x1, s22  }
0x5b: {  	p3 =	seq.s32 s31, $0x1  }
.Ltmp4:
0x5c: {  	_ = 	snop;
	(pc) =	sbr.rel @!p3 .LBB2_3-.Ltmp4, $3  }
0x5d: {  	_ =	sdelay $0x1  }
0x5e: {  	s23 =	smov.u32 s22  }
0x5f: {  	s22 =	sadd.s32 $0x1, s23  }
0x60: {  	s0 =	sadd.s32 $0x1, s23  }
0x61: {  	p3 =	sge.u32 s0, s5  }
0x62: {  	s0 =	sshll.u32 @!p3 s0, $0xC  }
0x63: {  	s24 =	simm.s32 @!p3 $0x0;
	s0 =	sadd.s32 @!p3 s0, s6  }
0x64: {  	[tilespmem:s24], [sflag:$0x1] =	stream.linear.gather @!p3 [hbm4b:s0+s24], $0x400, $0x38;
	[tilespmem:$0x11A00] =	vst v63  }
0x65: {  	p3 =	sge.u32 s23, s5  }
.Ltmp5:
0x66: {  	_ = 	snop;
	(pc) =	sbr.rel @p3 .LBB2_11-.Ltmp5, $1  }
0x67: {  	_ =	sdelay $0x3  }
0x68: {  	p3 =	slt.u32 s23, $0x2  }
0x69: {  	s0 =	simm.s32 @!p3 $0x4  }
0x6a: {  	_ =	swait.ge @!p3 [sflag:s0], $0x8000  }
0x6b: {  	[sflag:s0] =	ssyncset.done @!p3 $0x0  }
0x6c: {  	s25 =	simm.s32 $0x0;
	[sflag:s0] =	ssyncadd.s32 @!p3 $0xFFFF8000  }
0x6d: {  	s30 =	sand.u32 $0xE00, s25;
	_ =	swait.ge [sflag:s12], $0x400  }
0x6e: {  	s24 =	sand.u32 $0x70, s25;
	s0 =	sshrl.u32 s30, $0x2;
	[sflag:s12] =	ssyncset.done $0x0  }
0x6f: {  	s0 =	sor.u32 s24, s0;
	[sflag:s12] =	ssyncadd.s32 $0xFFFFFC00  }
0x70: {  	v32 =	vld [tilespmem:s0+$0x400];
	_ =	sdelay $0x4  }
0x71: {  	v33 =	vshrl.u32 v32, $0x1B  }
0x72: {  	v33 =	vand.u32 $0x10, v33  }
0x73: {  	v32 =	vadd.s32 v32, v33  }
0x74: {  	s31 =	sand.u32 $0x1C00, s25;
	v34 =	vperm.xlane v18, v32  }
0x75: {  	s24 =	sor.u32 s24, s31;
	v38 =	vperm.xlane v27, v32;
	v36 =	vperm.xlane v21, v32  }
0x76: {  	v33 =	vperm.xlane v24, v32;
	v37 =	vperm.xlane v19, v32;
	[tilespmem:s24+$0x8800] =	vst v34  }
0x77: {  	s28 =	simm.s32 $0x40;
	s29 =	simm.s32 $0x0;
	s26 =	sor.u32 s25, s25;
	v35 =	vperm.xlane v23, v32;
	v34 =	vperm.xlane v25, v32;
	[tilespmem:s24+$0x8B00] =	vst v38  }
.LBB2_9:
0x78: {  	p3 =	sne.s32 s28, $0xFC0;
	[tilespmem:s24+$0x8900] =	vst v36;
	s25 =	sadd.s32 $0x80, s25;
	s29 =	sadd.s32 $0x10, s29  }
0x79: {  	s30 =	smov.u32 s28;
	s28 =	sadd.s32 $0x40, s28;
	s0 =	sor.u32 s25, s29;
	[tilespmem:s24+$0x8880] =	vst v37  }
0x7a: {  	[tilespmem:s24+$0x8A00] =	vst v33  }
0x7b: {  	v33 =	vperm.xlane v20, v32;
	[tilespmem:s24+$0x8980] =	vst v35  }
0x7c: {  	s31 =	sor.u32 $0x380, s26;
	s26 =	smov.u32 s0;
	[tilespmem:s24+$0x8A80] =	vst v34;
	v34 =	vperm.xlane v16, v32  }
0x7d: {  	[tilespmem:s31+$0x8800] =	vst v33;
	v33 =	vperm.xlane v31, v32  }
0x7e: {  	[tilespmem:s24+$0xA800] =	vst v34;
	v34 =	vperm.xlane v15, v32  }
0x7f: {  	v35 =	vperm.xlane v30, v32;
	[tilespmem:s24+$0xEB80] =	vst v33  }
0x80: {  	v33 =	vperm.xlane v12, v32;
	[tilespmem:s24+$0xA900] =	vst v34  }
0x81: {  	v34 =	vperm.xlane v29, v32;
	[tilespmem:s24+$0xEB00] =	vst v35  }
0x82: {  	[tilespmem:s24+$0xA880] =	vst v33;
	v33 =	vperm.xlane v28, v32  }
0x83: {  	v35 =	vperm.xlane v26, v32;
	[tilespmem:s24+$0xEA80] =	vst v34  }
0x84: {  	v34 =	vperm.xlane v22, v32;
	[tilespmem:s24+$0xEA00] =	vst v33  }
0x85: {  	v33 =	vperm.xlane v17, v32;
	[tilespmem:s24+$0xE980] =	vst v35  }
0x86: {  	v35 =	vperm.xlane v14, v32;
	[tilespmem:s24+$0xE900] =	vst v34  }
0x87: {  	v34 =	vperm.xlane v13, v32;
	[tilespmem:s24+$0xE880] =	vst v33  }
0x88: {  	v33 =	vperm.xlane v11, v32;
	[tilespmem:s24+$0xE800] =	vst v35  }
0x89: {  	v35 =	vperm.xlane v10, v32;
	[tilespmem:s24+$0xCB80] =	vst v34  }
0x8a: {  	v34 =	vperm.xlane v9, v32;
	[tilespmem:s24+$0xCB00] =	vst v33  }
0x8b: {  	v33 =	vperm.xlane v8, v32;
	[tilespmem:s24+$0xCA80] =	vst v35  }
0x8c: {  	v35 =	vperm.xlane v7, v32;
	[tilespmem:s24+$0xCA00] =	vst v34  }
0x8d: {  	v34 =	vperm.xlane v6, v32;
	[tilespmem:s24+$0xC980] =	vst v33  }
0x8e: {  	v33 =	vperm.xlane v5, v32;
	[tilespmem:s24+$0xC900] =	vst v35  }
0x8f: {  	v35 =	vperm.xlane v4, v32;
	[tilespmem:s24+$0xC880] =	vst v34  }
0x90: {  	v34 =	vperm.xlane v3, v32;
	[tilespmem:s24+$0xC800] =	vst v33  }
0x91: {  	v33 =	vperm.xlane v2, v32;
	[tilespmem:s24+$0xAB80] =	vst v35  }
0x92: {  	v35 =	vperm.xlane v0, v32;
	v32 =	vperm.xlane v1, v32;
	[tilespmem:s24+$0xAB00] =	vst v34  }
0x93: {  	s0 =	sand.u32 $0xE00, s30;
	[tilespmem:s24+$0xAA80] =	vst v33  }
0x94: {  	s30 =	sand.u32 $0x70, s29;
	s0 =	sshrl.u32 s0, $0x2;
	[tilespmem:s24+$0xAA00] =	vst v32  }
0x95: {  	s0 =	sor.u32 s30, s0;
	[tilespmem:s24+$0xA980] =	vst v35  }
0x96: {  	v32 =	vld [tilespmem:s0+$0x400];
	_ =	sdelay $0x4  }
0x97: {  	v33 =	vshrl.u32 v32, $0x1B  }
0x98: {  	v33 =	vand.u32 $0x10, v33  }
.Ltmp6:
0x99: {  	v32 =	vadd.s32 v32, v33;
	(pc) =	sbr.rel @p3 .LBB2_9-.Ltmp6, $4  }
0x9a: {  	s0 =	sand.u32 $0x1C00, s25;
	v34 =	vperm.xlane v18, v32;
	v38 =	vperm.xlane v27, v32  }
0x9b: {  	s24 =	sor.u32 s30, s0;
	v36 =	vperm.xlane v21, v32;
	v33 =	vperm.xlane v24, v32  }
0x9c: {  	v37 =	vperm.xlane v19, v32;
	v35 =	vperm.xlane v23, v32;
	[tilespmem:s24+$0x8800] =	vst v34  }
0x9d: {  	v34 =	vperm.xlane v25, v32;
	[tilespmem:s24+$0x8B00] =	vst v38  }
0x9e: {  	[tilespmem:s24+$0x8900] =	vst v36  }
0x9f: {  	[tilespmem:s24+$0x8880] =	vst v37  }
0xa0: {  	[tilespmem:s24+$0x8A00] =	vst v33  }
0xa1: {  	[tilespmem:s24+$0x8980] =	vst v35;
	v39 =	vperm.xlane v20, v32  }
0xa2: {  	s0 =	sor.u32 $0x380, s26;
	v40 =	vperm.xlane v16, v32;
	[tilespmem:s24+$0x8A80] =	vst v34  }
0xa3: {  	v41 =	vperm.xlane v31, v32;
	[tilespmem:s0+$0x8800] =	vst v39  }
0xa4: {  	v42 =	vperm.xlane v15, v32;
	[tilespmem:s24+$0xA800] =	vst v40  }
0xa5: {  	v43 =	vperm.xlane v30, v32;
	[tilespmem:s24+$0xEB80] =	vst v41  }
0xa6: {  	v44 =	vperm.xlane v12, v32;
	[tilespmem:s24+$0xA900] =	vst v42  }
0xa7: {  	v45 =	vperm.xlane v29, v32;
	[tilespmem:s24+$0xEB00] =	vst v43  }
0xa8: {  	v46 =	vperm.xlane v28, v32;
	[tilespmem:s24+$0xA880] =	vst v44  }
0xa9: {  	v47 =	vperm.xlane v26, v32;
	[tilespmem:s24+$0xEA80] =	vst v45  }
0xaa: {  	v48 =	vperm.xlane v22, v32;
	[tilespmem:s24+$0xEA00] =	vst v46  }
0xab: {  	v49 =	vperm.xlane v17, v32;
	[tilespmem:s24+$0xE980] =	vst v47  }
0xac: {  	v50 =	vperm.xlane v14, v32;
	[tilespmem:s24+$0xE900] =	vst v48  }
0xad: {  	v51 =	vperm.xlane v13, v32;
	[tilespmem:s24+$0xE880] =	vst v49  }
0xae: {  	v52 =	vperm.xlane v11, v32;
	[tilespmem:s24+$0xE800] =	vst v50  }
0xaf: {  	v53 =	vperm.xlane v10, v32;
	[tilespmem:s24+$0xCB80] =	vst v51  }
0xb0: {  	v54 =	vperm.xlane v9, v32;
	[tilespmem:s24+$0xCB00] =	vst v52  }
0xb1: {  	v55 =	vperm.xlane v8, v32;
	[tilespmem:s24+$0xCA80] =	vst v53  }
0xb2: {  	v56 =	vperm.xlane v7, v32;
	[tilespmem:s24+$0xCA00] =	vst v54  }
0xb3: {  	v57 =	vperm.xlane v6, v32;
	[tilespmem:s24+$0xC980] =	vst v55  }
0xb4: {  	v58 =	vperm.xlane v5, v32;
	[tilespmem:s24+$0xC900] =	vst v56  }
0xb5: {  	v59 =	vperm.xlane v4, v32;
	[tilespmem:s24+$0xC880] =	vst v57  }
0xb6: {  	v60 =	vperm.xlane v3, v32;
	[tilespmem:s24+$0xC800] =	vst v58  }
0xb7: {  	v61 =	vperm.xlane v2, v32;
	[tilespmem:s24+$0xAB80] =	vst v59  }
.Ltmp7:
0xb8: {  	v62 =	vperm.xlane v1, v32;
	[tilespmem:s24+$0xAB00] =	vst v60;
	(pc) =	sbr.rel .LBB2_11-.Ltmp7, $4  }
0xb9: {  	v63 =	vperm.xlane v0, v32;
	[tilespmem:s24+$0xAA80] =	vst v61  }
0xba: {  	s31 =	sshll.u32 s23, $0xF;
	[tilespmem:s24+$0xAA00] =	vst v62  }
0xbb: {  	s0 =	sadd.s32 s31, s7;
	[tilespmem:s24+$0xA980] =	vst v63  }
0xbc: {  	[hbm4b:s0+s13] =	stream.strided.scatter [tilespmem:s15], [sflag:$0x4], $0x8000, s14, s13, $0x38;
	[tilespmem:$0x11A00] =	vst v63  }
.LBB2_3:
0xbd: {  	s24 =	sor.u32 $0x1, s23  }
0xbe: {  	p3 =	sge.u32 s24, s5  }
0xbf: {  	s24 =	sshll.u32 @!p3 s24, $0xC  }
0xc0: {  	s25 =	simm.s32 @!p3 $0x0;
	s26 =	simm.s32 @!p3 $0x400;
	s24 =	sadd.s32 @!p3 s24, s6  }
0xc1: {  	[tilespmem:s26], [sflag:$0x2] =	stream.linear.gather @!p3 [hbm4b:s24+s25], $0x400, $0x38;
	[tilespmem:$0x11A00] =	vst v63  }
0xc2: {  	p3 =	sge.u32 s23, s5  }
.Ltmp8:
0xc3: {  	_ = 	snop;
	(pc) =	sbr.rel @p3 .LBB2_11-.Ltmp8, $1  }
0xc4: {  	_ =	sdelay $0x3  }
0xc5: {  	p3 =	slt.u32 s23, $0x2  }
0xc6: {  	s24 =	simm.s32 @!p3 $0x3  }
0xc7: {  	_ =	swait.ge @!p3 [sflag:s24], $0x8000  }
0xc8: {  	[sflag:s24] =	ssyncset.done @!p3 $0x0  }
0xc9: {  	s25 =	simm.s32 $0x0;
	[sflag:s24] =	ssyncadd.s32 @!p3 $0xFFFF8000  }
0xca: {  	s30 =	sand.u32 $0xE00, s25;
	_ =	swait.ge [sflag:s20], $0x400  }
0xcb: {  	s26 =	sand.u32 $0x70, s25;
	s24 =	sshrl.u32 s30, $0x2;
	[sflag:s20] =	ssyncset.done $0x0  }
0xcc: {  	s24 =	sor.u32 s26, s24;
	[sflag:s20] =	ssyncadd.s32 $0xFFFFFC00  }
0xcd: {  	v32 =	vld [tilespmem:s24+$0x0];
	_ =	sdelay $0x4  }
0xce: {  	v33 =	vshrl.u32 v32, $0x1B  }
0xcf: {  	v33 =	vand.u32 $0x10, v33  }
0xd0: {  	v32 =	vadd.s32 v32, v33  }
0xd1: {  	s31 =	sand.u32 $0x1C00, s25;
	v34 =	vperm.xlane v18, v32  }
0xd2: {  	s24 =	sor.u32 s26, s31;
	v38 =	vperm.xlane v27, v32;
	v36 =	vperm.xlane v21, v32  }
0xd3: {  	v33 =	vperm.xlane v24, v32;
	v37 =	vperm.xlane v19, v32;
	[tilespmem:s24+$0x800] =	vst v34  }
0xd4: {  	s28 =	simm.s32 $0x40;
	s29 =	simm.s32 $0x0;
	s26 =	sor.u32 s25, s25;
	v35 =	vperm.xlane v23, v32;
	v34 =	vperm.xlane v25, v32;
	[tilespmem:s24+$0xB00] =	vst v38  }
.LBB2_5:
0xd5: {  	p3 =	sne.s32 s28, $0xFC0;
	[tilespmem:s24+$0x900] =	vst v36;
	s25 =	sadd.s32 $0x80, s25;
	s29 =	sadd.s32 $0x10, s29  }
0xd6: {  	s30 =	smov.u32 s28;
	s28 =	sadd.s32 $0x40, s28;
	s31 =	sor.u32 s25, s29;
	[tilespmem:s24+$0x880] =	vst v37  }
0xd7: {  	[tilespmem:s24+$0xA00] =	vst v33  }
0xd8: {  	v33 =	vperm.xlane v20, v32;
	[tilespmem:s24+$0x980] =	vst v35  }
0xd9: {  	s0 =	sor.u32 $0x380, s26;
	s26 =	smov.u32 s31;
	[tilespmem:s24+$0xA80] =	vst v34;
	v34 =	vperm.xlane v16, v32  }
0xda: {  	[tilespmem:s0+$0x800] =	vst v33;
	v33 =	vperm.xlane v31, v32  }
0xdb: {  	[tilespmem:s24+$0x2800] =	vst v34;
	v34 =	vperm.xlane v15, v32  }
0xdc: {  	v35 =	vperm.xlane v30, v32;
	[tilespmem:s24+$0x6B80] =	vst v33  }
0xdd: {  	v33 =	vperm.xlane v12, v32;
	[tilespmem:s24+$0x2900] =	vst v34  }
0xde: {  	v34 =	vperm.xlane v29, v32;
	[tilespmem:s24+$0x6B00] =	vst v35  }
0xdf: {  	[tilespmem:s24+$0x2880] =	vst v33;
	v33 =	vperm.xlane v28, v32  }
0xe0: {  	v35 =	vperm.xlane v26, v32;
	[tilespmem:s24+$0x6A80] =	vst v34  }
0xe1: {  	v34 =	vperm.xlane v22, v32;
	[tilespmem:s24+$0x6A00] =	vst v33  }
0xe2: {  	v33 =	vperm.xlane v17, v32;
	[tilespmem:s24+$0x6980] =	vst v35  }
0xe3: {  	v35 =	vperm.xlane v14, v32;
	[tilespmem:s24+$0x6900] =	vst v34  }
0xe4: {  	v34 =	vperm.xlane v13, v32;
	[tilespmem:s24+$0x6880] =	vst v33  }
0xe5: {  	v33 =	vperm.xlane v11, v32;
	[tilespmem:s24+$0x6800] =	vst v35  }
0xe6: {  	v35 =	vperm.xlane v10, v32;
	[tilespmem:s24+$0x4B80] =	vst v34  }
0xe7: {  	v34 =	vperm.xlane v9, v32;
	[tilespmem:s24+$0x4B00] =	vst v33  }
0xe8: {  	v33 =	vperm.xlane v8, v32;
	[tilespmem:s24+$0x4A80] =	vst v35  }
0xe9: {  	v35 =	vperm.xlane v7, v32;
	[tilespmem:s24+$0x4A00] =	vst v34  }
0xea: {  	v34 =	vperm.xlane v6, v32;
	[tilespmem:s24+$0x4980] =	vst v33  }
0xeb: {  	v33 =	vperm.xlane v5, v32;
	[tilespmem:s24+$0x4900] =	vst v35  }
0xec: {  	v35 =	vperm.xlane v4, v32;
	[tilespmem:s24+$0x4880] =	vst v34  }
0xed: {  	v34 =	vperm.xlane v3, v32;
	[tilespmem:s24+$0x4800] =	vst v33  }
0xee: {  	v33 =	vperm.xlane v2, v32;
	[tilespmem:s24+$0x2B80] =	vst v35  }
0xef: {  	v35 =	vperm.xlane v0, v32;
	v32 =	vperm.xlane v1, v32;
	[tilespmem:s24+$0x2B00] =	vst v34  }
0xf0: {  	s0 =	sand.u32 $0xE00, s30;
	[tilespmem:s24+$0x2A80] =	vst v33  }
0xf1: {  	s30 =	sand.u32 $0x70, s29;
	s0 =	sshrl.u32 s0, $0x2;
	[tilespmem:s24+$0x2A00] =	vst v32  }
0xf2: {  	s0 =	sor.u32 s30, s0;
	[tilespmem:s24+$0x2980] =	vst v35  }
0xf3: {  	v32 =	vld [tilespmem:s0+$0x0];
	_ =	sdelay $0x4  }
0xf4: {  	v33 =	vshrl.u32 v32, $0x1B  }
0xf5: {  	v33 =	vand.u32 $0x10, v33  }
.Ltmp9:
0xf6: {  	v32 =	vadd.s32 v32, v33;
	(pc) =	sbr.rel @p3 .LBB2_5-.Ltmp9, $4  }
0xf7: {  	s0 =	sand.u32 $0x1C00, s25;
	v34 =	vperm.xlane v18, v32;
	v38 =	vperm.xlane v27, v32  }
0xf8: {  	s24 =	sor.u32 s30, s0;
	v36 =	vperm.xlane v21, v32;
	v33 =	vperm.xlane v24, v32  }
0xf9: {  	v37 =	vperm.xlane v19, v32;
	v35 =	vperm.xlane v23, v32;
	[tilespmem:s24+$0x800] =	vst v34  }
0xfa: {  	v34 =	vperm.xlane v25, v32;
	[tilespmem:s24+$0xB00] =	vst v38  }
.Ltmp10:
0xfb: {  	_ = 	snop;
	(pc) =	sbr.rel .LBB2_6-.Ltmp10, $1  }
0xfc: {  	_ =	sdelay $0x3  }
.LBB2_12:
0xfd: {  	s0 =	simm.s32 @p0 $0x3  }
0xfe: {  	_ =	swait.ge @p0 [sflag:s0], $0x8000  }
0xff: {  	[sflag:s0] =	ssyncset.done @p0 $0x0  }
0x100: {  	[sflag:s0] =	ssyncadd.s32 @p0 $0xFFFF8000;
	s0 =	simm.s32 @!p1 $0x4  }
0x101: {  	_ =	swait.ge @!p1 [sflag:s0], $0x8000  }
0x102: {  	[sflag:s0] =	ssyncset.done @!p1 $0x0  }
0x103: {  	[sflag:s0] =	ssyncadd.s32 @!p1 $0xFFFF8000;
	s0 =	simm.s32 @!p1 $0x3  }
0x104: {  	_ =	swait.ge @!p1 [sflag:s0], $0x8000  }
.Ltmp11:
0x105: {  	[sflag:s0] =	ssyncset.done @!p1 $0x0;
	(pc) =	sbr.rel @p2 .LBB2_16-.Ltmp11, $4  }
0x106: {  	[sflag:s0] =	ssyncadd.s32 @!p1 $0xFFFF8000;
	s0 =	simm.s32 @p0 $0x4  }
0x107: {  	_ =	swait.ge @p0 [sflag:s0], $0x8000  }
0x108: {  	[sflag:s0] =	ssyncset.done @p0 $0x0  }
0x109: {  	[sflag:s0] =	ssyncadd.s32 @p0 $0xFFFF8000  }
0x10a: {  	s23 =	simm.s32 $0x0;
	s24 =	simm.s32 $0x10800  }
0x10b: {  	[tilespmem:s24], [sflag:$0x5] =	stream.linear.gather [hbm4b:s3+s23], $0x200, $0x38;
	[tilespmem:$0x11A00] =	vst v63  }
0x10c: {  	_ =	swait.ge [sflag:s11], $0x200  }
0x10d: {  	[sflag:s11] =	ssyncset.done $0x0  }
0x10e: {  	[sflag:s11] =	ssyncadd.s32 $0xFFFFFE00  }
0x10f: {  	v32 =	vld [tilespmem:s24+$0x0];
	_ =	sdelay $0x4  }
0x110: {  	v33 =	vshrl.u32 v32, $0x1B  }
0x111: {  	v33 =	vand.u32 $0x10, v33  }
0x112: {  	v32 =	vadd.s32 v32, v33  }
0x113: {  	s0 =	sand.u32 $0x70, s23;
	s22 =	sand.u32 $0xC00, s23;
	v34 =	vperm.xlane v18, v32  }
0x114: {  	s22 =	sor.u32 s0, s22;
	v38 =	vperm.xlane v27, v32;
	v36 =	vperm.xlane v21, v32  }
0x115: {  	v33 =	vperm.xlane v24, v32;
	v37 =	vperm.xlane v19, v32;
	[tilespmem:s22+$0x800] =	vst v34  }
0x116: {  	s26 =	simm.s32 $0x10;
	s25 =	sor.u32 s23, s23;
	v35 =	vperm.xlane v23, v32;
	v34 =	vperm.xlane v25, v32;
	[tilespmem:s22+$0xB00] =	vst v38  }
.LBB2_14:
0x117: {  	p3 =	sne.s32 s26, $0x1F0;
	[tilespmem:s22+$0x900] =	vst v36;
	s23 =	sadd.s32 $0x80, s23;
	s24 =	sadd.s32 $0x10, s24  }
0x118: {  	s28 =	smov.u32 s26;
	s0 =	sor.u32 s23, s26;
	[tilespmem:s22+$0x880] =	vst v37;
	s26 =	sadd.s32 $0x10, s26  }
0x119: {  	[tilespmem:s22+$0xA00] =	vst v33  }
0x11a: {  	v33 =	vperm.xlane v20, v32;
	[tilespmem:s22+$0x980] =	vst v35  }
0x11b: {  	s29 =	sor.u32 $0x380, s25;
	s25 =	smov.u32 s0;
	[tilespmem:s22+$0xA80] =	vst v34;
	v34 =	vperm.xlane v16, v32  }
0x11c: {  	[tilespmem:s29+$0x800] =	vst v33;
	v33 =	vperm.xlane v31, v32  }
0x11d: {  	[tilespmem:s22+$0x2800] =	vst v34;
	v34 =	vperm.xlane v15, v32  }
0x11e: {  	v35 =	vperm.xlane v30, v32;
	[tilespmem:s22+$0x6B80] =	vst v33  }
0x11f: {  	v33 =	vperm.xlane v12, v32;
	[tilespmem:s22+$0x2900] =	vst v34  }
0x120: {  	v34 =	vperm.xlane v29, v32;
	[tilespmem:s22+$0x6B00] =	vst v35  }
0x121: {  	[tilespmem:s22+$0x2880] =	vst v33;
	v33 =	vperm.xlane v28, v32  }
0x122: {  	v35 =	vperm.xlane v26, v32;
	[tilespmem:s22+$0x6A80] =	vst v34  }
0x123: {  	v34 =	vperm.xlane v22, v32;
	[tilespmem:s22+$0x6A00] =	vst v33  }
0x124: {  	v33 =	vperm.xlane v17, v32;
	[tilespmem:s22+$0x6980] =	vst v35  }
0x125: {  	v35 =	vperm.xlane v14, v32;
	[tilespmem:s22+$0x6900] =	vst v34  }
0x126: {  	v34 =	vperm.xlane v13, v32;
	[tilespmem:s22+$0x6880] =	vst v33  }
0x127: {  	v33 =	vperm.xlane v11, v32;
	[tilespmem:s22+$0x6800] =	vst v35  }
0x128: {  	v35 =	vperm.xlane v10, v32;
	[tilespmem:s22+$0x4B80] =	vst v34  }
0x129: {  	v34 =	vperm.xlane v9, v32;
	[tilespmem:s22+$0x4B00] =	vst v33  }
0x12a: {  	v33 =	vperm.xlane v8, v32;
	[tilespmem:s22+$0x4A80] =	vst v35  }
0x12b: {  	v35 =	vperm.xlane v7, v32;
	[tilespmem:s22+$0x4A00] =	vst v34  }
0x12c: {  	v34 =	vperm.xlane v6, v32;
	[tilespmem:s22+$0x4980] =	vst v33  }
0x12d: {  	v33 =	vperm.xlane v5, v32;
	[tilespmem:s22+$0x4900] =	vst v35  }
0x12e: {  	v35 =	vperm.xlane v4, v32;
	[tilespmem:s22+$0x4880] =	vst v34  }
0x12f: {  	v34 =	vperm.xlane v3, v32;
	[tilespmem:s22+$0x4800] =	vst v33  }
0x130: {  	v33 =	vperm.xlane v2, v32;
	[tilespmem:s22+$0x2B80] =	vst v35  }
0x131: {  	v35 =	vperm.xlane v0, v32;
	v32 =	vperm.xlane v1, v32;
	[tilespmem:s22+$0x2B00] =	vst v34  }
0x132: {  	[tilespmem:s22+$0x2A80] =	vst v33  }
0x133: {  	[tilespmem:s22+$0x2A00] =	vst v32  }
0x134: {  	[tilespmem:s22+$0x2980] =	vst v35  }
0x135: {  	v32 =	vld [tilespmem:s24+$0x0];
	_ =	sdelay $0x4  }
0x136: {  	v33 =	vshrl.u32 v32, $0x1B  }
0x137: {  	v33 =	vand.u32 $0x10, v33  }
.Ltmp12:
0x138: {  	v32 =	vadd.s32 v32, v33;
	(pc) =	sbr.rel @p3 .LBB2_14-.Ltmp12, $4  }
0x139: {  	s0 =	sand.u32 $0x70, s28;
	s22 =	sand.u32 $0xC00, s23;
	v34 =	vperm.xlane v18, v32;
	v38 =	vperm.xlane v27, v32  }
0x13a: {  	s22 =	sor.u32 s0, s22;
	v36 =	vperm.xlane v21, v32;
	v33 =	vperm.xlane v24, v32  }
0x13b: {  	v37 =	vperm.xlane v19, v32;
	v35 =	vperm.xlane v23, v32;
	[tilespmem:s22+$0x800] =	vst v34  }
0x13c: {  	v34 =	vperm.xlane v25, v32;
	[tilespmem:s22+$0xB00] =	vst v38  }
0x13d: {  	[tilespmem:s22+$0x900] =	vst v36  }
0x13e: {  	[tilespmem:s22+$0x880] =	vst v37  }
0x13f: {  	[tilespmem:s22+$0xA00] =	vst v33  }
0x140: {  	[tilespmem:s22+$0x980] =	vst v35;
	v18 =	vperm.xlane v20, v32  }
0x141: {  	s0 =	sor.u32 $0x380, s25;
	v16 =	vperm.xlane v16, v32;
	[tilespmem:s22+$0xA80] =	vst v34  }
0x142: {  	v57 =	vperm.xlane v31, v32;
	[tilespmem:s0+$0x800] =	vst v18  }
0x143: {  	v15 =	vperm.xlane v15, v32;
	[tilespmem:s22+$0x2800] =	vst v16  }
0x144: {  	v58 =	vperm.xlane v30, v32;
	[tilespmem:s22+$0x6B80] =	vst v57  }
0x145: {  	v12 =	vperm.xlane v12, v32;
	[tilespmem:s22+$0x2900] =	vst v15  }
0x146: {  	v59 =	vperm.xlane v29, v32;
	[tilespmem:s22+$0x6B00] =	vst v58  }
0x147: {  	v60 =	vperm.xlane v28, v32;
	[tilespmem:s22+$0x2880] =	vst v12  }
0x148: {  	v61 =	vperm.xlane v26, v32;
	[tilespmem:s22+$0x6A80] =	vst v59  }
0x149: {  	v62 =	vperm.xlane v22, v32;
	[tilespmem:s22+$0x6A00] =	vst v60  }
0x14a: {  	v63 =	vperm.xlane v17, v32;
	[tilespmem:s22+$0x6980] =	vst v61  }
0x14b: {  	v14 =	vperm.xlane v14, v32;
	[tilespmem:s22+$0x6900] =	vst v62  }
0x14c: {  	v13 =	vperm.xlane v13, v32;
	[tilespmem:s22+$0x6880] =	vst v63  }
0x14d: {  	v11 =	vperm.xlane v11, v32;
	[tilespmem:s22+$0x6800] =	vst v14  }
0x14e: {  	v10 =	vperm.xlane v10, v32;
	[tilespmem:s22+$0x4B80] =	vst v13  }
0x14f: {  	v9 =	vperm.xlane v9, v32;
	[tilespmem:s22+$0x4B00] =	vst v11  }
0x150: {  	v8 =	vperm.xlane v8, v32;
	[tilespmem:s22+$0x4A80] =	vst v10  }
0x151: {  	v7 =	vperm.xlane v7, v32;
	[tilespmem:s22+$0x4A00] =	vst v9  }
0x152: {  	v6 =	vperm.xlane v6, v32;
	[tilespmem:s22+$0x4980] =	vst v8  }
0x153: {  	v5 =	vperm.xlane v5, v32;
	[tilespmem:s22+$0x4900] =	vst v7  }
0x154: {  	v4 =	vperm.xlane v4, v32;
	[tilespmem:s22+$0x4880] =	vst v6  }
0x155: {  	v3 =	vperm.xlane v3, v32;
	[tilespmem:s22+$0x4800] =	vst v5  }
0x156: {  	v2 =	vperm.xlane v2, v32;
	[tilespmem:s22+$0x2B80] =	vst v4  }
0x157: {  	v1 =	vperm.xlane v1, v32;
	[tilespmem:s22+$0x2B00] =	vst v3  }
0x158: {  	v0 =	vperm.xlane v0, v32;
	[tilespmem:s22+$0x2A80] =	vst v2  }
0x159: {  	[tilespmem:s22+$0x2A00] =	vst v1  }
0x15a: {  	[tilespmem:s22+$0x2980] =	vst v0  }
0x15b: {  	[hbm4b:s8+s2] =	stream.linear.scatter [tilespmem:s16], [sflag:$0x5], $0x1000, $0x38;
	[tilespmem:$0x11A00] =	vst v63  }
0x15c: {  	s29 =	sadd.s32 $0x186A00, s8  }
0x15d: {  	[hbm4b:s29+s2] =	stream.linear.scatter [tilespmem:s17], [sflag:$0x5], $0x1000, $0x38;
	[tilespmem:$0x11A00] =	vst v63  }
0x15e: {  	s30 =	sadd.s32 $0x30D400, s8  }
0x15f: {  	[hbm4b:s30+s2] =	stream.linear.scatter [tilespmem:s18], [sflag:$0x5], $0x1000, $0x38;
	[tilespmem:$0x11A00] =	vst v63  }
.Ltmp13:
0x160: {  	s31 =	sadd.s32 $0x493E00, s8;
	(pc) =	sbr.rel .LBB2_16-.Ltmp13, $4  }
0x161: {  	[hbm4b:s31+s2] =	stream.linear.scatter [tilespmem:s19], [sflag:$0x5], $0x1000, $0x38;
	[tilespmem:$0x11A00] =	vst v63  }
0x162: {  	_ =	swait.ge [sflag:s11], $0x4000  }
0x163: {  	[sflag:s11] =	ssyncset.done $0x0  }
0x164: {  	[sflag:s11] =	ssyncadd.s32 $0xFFFFC000  }
.LBB2_17:
0x165: {  	_ =	sfence.sel $0x180000  }
0x166: {  	[bflag:$0x0] =	sbarrier.arrive $0xFFFF  }
0x167: {  	_ =	strace $0x90000047  }
0x168: {  	[bflag:$0x2] =	sbarrier.arrive $0xFFFF  }
0x169: {  	p0 =	sne.s32 s1, $0x0;
	s0 =	rddreg [dreg:$0x2]  }
0x16a: {  	s0 =	sadd.s32 @!p0 $0x100000, s0  }
0x16b: {  	[sflag:s0] =	ssyncadd.tile.s32 @!p0 $0x1;
	_ =	shalt  }
.Lfunc_end2:
_tile_overlayer_lowered:
.L_overlay_start_2:
0x16c: {  	(tag) =	ssettag $0x2  }
0x16d: {  	s0 =	rddreg [dreg:$0x0];
	s2 =	stileid.u32  }
0x16e: {  	s1 =	rddreg [dreg:$0x1];
	p0 =	sne.s32 s2, $0x0  }
0x16f: {  	s3 =	rddreg [dreg:$0x2];
	[bflag:$0x3] =	sbarrier.arrive $0xFFFF;
	s2 =	simm.s32 @!p0 $0x1C05  }
0x170: {  	[timem:s3], [sflag:s2] =	dma.local @!p0 [hbm:s0], s1  }
0x171: {  	s0 =	simm.s32 @!p0 $0x5  }
0x172: {  	_ =	swait.ge @!p0 [sflag:s0], s1  }
0x173: {  	s1 =	ssub.s32 @!p0 $0x0, s1;
	[sflag:s0] =	ssyncset.done @!p0 $0x0  }
0x174: {  	[sflag:s0] =	ssyncadd.s32 @!p0 s1  }
0x175: {  	[bflag:$0x3] =	sbarrier.arrive $0xFFFF  }
0x176: {  	_ =	shalt  }

</sc_bundles>
